<compile_context>
chip_gen: v7x
topology: tpu7x:2x2x1
jax: 0.10.2.dev20260603
libtpu: 0.0.44.dev20260713+nightly
codegen_flags: <defaults>
</compile_context>

<pallas_src>
import functools

import jax
import jax.numpy as jnp
from jax import lax
from jax.experimental import pallas as pl
from jax.experimental.pallas import tpu as pltpu, tpu_sc as plsc

_B = 4096
_S = 32
_F = 128
_NW = 32
_BW = _B // _NW
_NBUF = 4


def _sc_body(feat_hbm, nodes_hbm, neighT_hbm, loc_hbm,
             self_out, neigh_out,
             idx_s, nodes_v, loc_v, self_buf, acc_sh,
             bufs, gsem, ssem, selfsem):
    c = lax.axis_index("c")
    q = lax.axis_index("s")
    w = c * 16 + q
    base = w * _BW
    lbase = q * _BW

    pltpu.sync_copy(neighT_hbm.at[w], idx_s)
    pltpu.sync_copy(loc_hbm.at[pl.ds(base, _BW)], loc_v)

    pltpu.sync_copy(nodes_hbm.at[pl.ds(base, _BW)], nodes_v)
    pltpu.async_copy(feat_hbm.at[nodes_v], self_buf, selfsem)

    for b in range(_NBUF):
        pltpu.async_copy(feat_hbm.at[idx_s.at[b]], bufs[b], gsem[b])

    def wait_gather(b):
        pltpu.make_async_copy(feat_hbm.at[pl.ds(0, _BW)], bufs[b],
                              gsem[b]).wait()

    def wait_scatter(b):
        pltpu.make_async_copy(bufs[b], acc_sh.at[pl.ds(lbase, _BW)],
                              ssem[b]).wait()

    def do_round(j, b, refill_j):
        wait_gather(b)
        pltpu.async_copy(bufs[b], acc_sh.at[loc_v], ssem[b], add=True)
        if refill_j is not None:
            wait_scatter(b)
            pltpu.async_copy(feat_hbm.at[idx_s.at[refill_j]], bufs[b],
                             gsem[b])

    wait_gather(0)
    pltpu.sync_copy(bufs[0], acc_sh.at[loc_v])
    pltpu.async_copy(feat_hbm.at[idx_s.at[_NBUF]], bufs[0], gsem[0])

    for j in range(1, _NBUF):
        do_round(j, j, j + _NBUF)

    def group(g, carry):
        for b in range(_NBUF):
            j = g * _NBUF + b
            do_round(j, b, j + _NBUF)
        return carry

    lax.fori_loop(1, _S // _NBUF - 1, group, 0)

    for j in range(_S - _NBUF, _S):
        do_round(j, j % _NBUF, None)
    for b in range(_NBUF):
        wait_scatter(b)

    pltpu.make_async_copy(feat_hbm.at[pl.ds(0, _BW)], self_buf,
                          selfsem).wait()
    pltpu.sync_copy(self_buf, self_out.at[pl.ds(base, _BW)])
    pltpu.sync_copy(acc_sh.at[pl.ds(lbase, _BW)],
                    neigh_out.at[pl.ds(base, _BW)])


def _sc_gather(features, nodes, neighTw, loc):
    mesh = plsc.VectorSubcoreMesh(core_axis_name="c", subcore_axis_name="s")
    f32 = jnp.float32
    return pl.kernel(
        _sc_body,
        out_type=(jax.ShapeDtypeStruct((_B, _F), f32),
                  jax.ShapeDtypeStruct((_B, _F), f32)),
        mesh=mesh,
        compiler_params=pltpu.CompilerParams(use_tc_tiling_on_sc=False),
        scratch_types=[
            pltpu.VMEM((_S, _BW), jnp.int32),
            pltpu.VMEM((_BW,), jnp.int32),
            pltpu.VMEM((_BW,), jnp.int32),
            pltpu.VMEM((_BW, _F), f32),
            pltpu.VMEM_SHARED((_B // 2, _F), f32),
            [pltpu.VMEM((_BW, _F), f32) for _ in range(_NBUF)],
            [pltpu.SemaphoreType.DMA for _ in range(_NBUF)],
            [pltpu.SemaphoreType.DMA for _ in range(_NBUF)],
            pltpu.SemaphoreType.DMA,
        ],
    )(features, nodes, neighTw, loc)


def _tc_body(self_ref, neigh_ref, w_ref, out_ref):
    w1 = w_ref[0:_F, :]
    w2 = w_ref[_F:2 * _F, :] * (1.0 / _S)
    a = lax.dot_general(w1, self_ref[...], (((0,), (1,)), ((), ())),
                        preferred_element_type=jnp.float32)
    b = lax.dot_general(w2, neigh_ref[...], (((0,), (1,)), ((), ())),
                        preferred_element_type=jnp.float32)
    out_ref[...] = jnp.maximum(a + b, 0.0)


def _tc_project(self_feats, neigh_sum, weight):
    blk = 1024
    grid = (_B // blk,)
    return pl.pallas_call(
        _tc_body,
        grid=grid,
        in_specs=[
            pl.BlockSpec((blk, _F), lambda i: (i, 0)),
            pl.BlockSpec((blk, _F), lambda i: (i, 0)),
            pl.BlockSpec((2 * _F, _F), lambda i: (0, 0)),
        ],
        out_specs=pl.BlockSpec((_F, blk), lambda i: (0, i)),
        out_shape=jax.ShapeDtypeStruct((_F, _B), jnp.float32),
    )(self_feats, neigh_sum, weight)


@jax.jit
def kernel(nodes, neigh_idx, features, weight):
    nodes = nodes.astype(jnp.int32)
    neighTw = jnp.transpose(
        neigh_idx.astype(jnp.int32).reshape(_NW, _BW, _S), (0, 2, 1))
    loc = jnp.arange(_B, dtype=jnp.int32) % (_B // 2)
    self_feats, neigh_sum = _sc_gather(features, nodes, neighTw, loc)
    return _tc_project(self_feats, neigh_sum, weight)

# --- scband reference (transcript-rebuilt; emitter-appended) ---
"""Pipeline reference for scband-encoder-6811818131824 (READ-ONLY COPY).

The authoritative reference and input builder live on the scoring server;
editing this copy changes nothing except your own understanding.
"""

import jax, jax.numpy as jnp
import numpy as np

N_NODES = 10000
FEAT_DIM = 128
EMBED_DIM = 128
NUM_SAMPLE = 32
BATCH = 4096


def setup_inputs(seed: int = 0) -> dict:
    key = jax.random.key(seed)
    k1, k2, k3, k4 = jax.random.split(key, 4)
    # batch of seed nodes
    nodes = jax.random.randint(k1, (BATCH,), 0, N_NODES)
    # sampled neighbors per node (stand-in for sampling num_sample neighbors from adj_lists)
    neigh_idx = jax.random.randint(k2, (BATCH, NUM_SAMPLE), 0, N_NODES)
    # learned parameters: node feature table (self.features embedding) and layer weight
    features = jax.random.normal(k3, (N_NODES, FEAT_DIM), dtype=jnp.float32)
    weight = jax.random.normal(k4, (2 * FEAT_DIM, EMBED_DIM), dtype=jnp.float32) * 0.05
    return {"nodes": nodes, "neigh_idx": neigh_idx, "features": features, "weight": weight}


def reference(nodes, neigh_idx, features, weight):
    # self_feats = self.features(torch.LongTensor(nodes))
    self_feats = jnp.take(features, nodes, axis=0)                      # [B, F]
    # aggregator.forward: mean over num_sample sampled neighbors (MeanAggregator)
    gathered = jnp.take(features, neigh_idx.reshape(-1), axis=0)        # [B*S, F]
    neigh_feats = jnp.mean(gathered.reshape(BATCH, NUM_SAMPLE, FEAT_DIM), axis=1)  # [B, F]
    # combined = torch.cat([self_feats, neigh_feats], dim=1)  (gcn=False branch)
    combined = jnp.concatenate([self_feats, neigh_feats], axis=1)       # [B, 2F]
    # combined = F.relu(self.weight.t().mm(combined.t()))
    out = jax.nn.relu(jnp.matmul(weight.T, combined.T))                 # [embed_dim, B]
    return out

if __name__ == "__main__":
    import jax
    _d = setup_inputs()
    print(jax.jit(kernel)(*tuple(_d.values())))

</pallas_src>

<mosaic_0001>
#map = affine_map<(d0, d1) -> (0, 0)>
#map1 = affine_map<(d0, d1) -> (0)>
#map2 = affine_map<(d0, d1) -> (0, 0, 0)>
module attributes {stable_mosaic.version = 14 : i64} {
  func.func @_sc_body(%arg0: i32, %arg1: i32, %arg2: memref<10000x128xf32, #tpu.memory_space<hbm>>, %arg3: memref<4096xi32, #tpu.memory_space<hbm>>, %arg4: memref<32x32x128xi32, #tpu.memory_space<hbm>>, %arg5: memref<4096xi32, #tpu.memory_space<hbm>>, %arg6: memref<4096x128xf32, #tpu.memory_space<hbm>>, %arg7: memref<4096x128xf32, #tpu.memory_space<hbm>>, %arg8: memref<32x128xi32, #tpu.memory_space<vmem>>, %arg9: memref<128xi32, #tpu.memory_space<vmem>>, %arg10: memref<128xi32, #tpu.memory_space<vmem>>, %arg11: memref<128x128xf32, #tpu.memory_space<vmem>>, %arg12: memref<2048x128xf32, #tpu.memory_space<vmem_shared>>, %arg13: memref<128x128xf32, #tpu.memory_space<vmem>>, %arg14: memref<128x128xf32, #tpu.memory_space<vmem>>, %arg15: memref<128x128xf32, #tpu.memory_space<vmem>>, %arg16: memref<128x128xf32, #tpu.memory_space<vmem>>, %arg17: memref<!tpu.dma_semaphore, #tpu.memory_space<semaphore_mem>>, %arg18: memref<!tpu.dma_semaphore, #tpu.memory_space<semaphore_mem>>, %arg19: memref<!tpu.dma_semaphore, #tpu.memory_space<semaphore_mem>>, %arg20: memref<!tpu.dma_semaphore, #tpu.memory_space<semaphore_mem>>, %arg21: memref<!tpu.dma_semaphore, #tpu.memory_space<semaphore_mem>>, %arg22: memref<!tpu.dma_semaphore, #tpu.memory_space<semaphore_mem>>, %arg23: memref<!tpu.dma_semaphore, #tpu.memory_space<semaphore_mem>>, %arg24: memref<!tpu.dma_semaphore, #tpu.memory_space<semaphore_mem>>, %arg25: memref<!tpu.dma_semaphore, #tpu.memory_space<semaphore_mem>>) attributes {dimension_semantics = [#tpu.dimension_semantics<core_parallel>, #tpu.dimension_semantics<subcore_parallel>], iteration_bounds = array<i64: 2, 16>, scalar_prefetch = 0 : i64, scratch_operands = 18 : i64, tpu.core_type = #tpu.core_type<sc_vector_subcore>, window_params = [{transform_indices = #map}, {transform_indices = #map1}, {transform_indices = #map2}, {transform_indices = #map1}, {transform_indices = #map}, {transform_indices = #map}]} {
    %mul3A = arith.constant 16 : i32
    %mul3A_0 = arith.muli %arg0, %mul3A : i32
    %add3A = arith.addi %mul3A_0, %arg1 : i32
    %mul3A_1 = arith.constant 128 : i32
    %mul3A_2 = arith.muli %add3A, %mul3A_1 : i32
    %mul3A_3 = arith.constant 128 : i32
    %mul3A_4 = arith.muli %arg1, %mul3A_3 : i32
    "tpu.region"() ({
      %run_scoped3A = tpu.sem_alloc : memref<!tpu.dma_semaphore, #tpu.memory_space<semaphore_mem>>
      %dma_start3A_170 = arith.constant 0 : i32
      %dma_start3A_171 = arith.constant 0 : i32
      %dma_start3A_172 = tpu.memref_slice %arg4[%add3A, %dma_start3A_170, %dma_start3A_171] : memref<32x32x128xi32, #tpu.memory_space<hbm>> -> memref<1x32x128xi32, #tpu.memory_space<hbm>>
      %dma_start3A_173 = tpu.memref_squeeze %dma_start3A_172 : memref<1x32x128xi32, #tpu.memory_space<hbm>> -> memref<32x128xi32, #tpu.memory_space<hbm>>
      %dma_start3A_174 = arith.constant 0 : i32
      %dma_start3A_175 = arith.constant 0 : i32
      %dma_start3A_176 = tpu.memref_slice %arg4[%add3A, %dma_start3A_174, %dma_start3A_175] : memref<32x32x128xi32, #tpu.memory_space<hbm>> -> memref<1x32x128xi32, #tpu.memory_space<hbm>>
      %dma_start3A_177 = tpu.memref_squeeze %dma_start3A_176 : memref<1x32x128xi32, #tpu.memory_space<hbm>> -> memref<32x128xi32, #tpu.memory_space<hbm>>
      tpu.enqueue_dma source(%dma_start3A_177 : memref<32x128xi32, #tpu.memory_space<hbm>>) target(%arg8 : memref<32x128xi32, #tpu.memory_space<vmem>>) target_semaphore(%run_scoped3A : memref<!tpu.dma_semaphore, #tpu.memory_space<semaphore_mem>>)
      %dma_wait3A_178 = arith.constant 0 : i32
      %dma_wait3A_179 = arith.constant 0 : i32
      %dma_wait3A_180 = tpu.memref_slice %arg4[%add3A, %dma_wait3A_178, %dma_wait3A_179] : memref<32x32x128xi32, #tpu.memory_space<hbm>> -> memref<1x32x128xi32, #tpu.memory_space<hbm>>
      %dma_wait3A_181 = tpu.memref_squeeze %dma_wait3A_180 : memref<1x32x128xi32, #tpu.memory_space<hbm>> -> memref<32x128xi32, #tpu.memory_space<hbm>>
      %dma_wait3A_182 = arith.constant 0 : i32
      %dma_wait3A_183 = arith.constant 0 : i32
      %dma_wait3A_184 = tpu.memref_slice %arg4[%add3A, %dma_wait3A_182, %dma_wait3A_183] : memref<32x32x128xi32, #tpu.memory_space<hbm>> -> memref<1x32x128xi32, #tpu.memory_space<hbm>>
      %dma_wait3A_185 = tpu.memref_squeeze %dma_wait3A_184 : memref<1x32x128xi32, #tpu.memory_space<hbm>> -> memref<32x128xi32, #tpu.memory_space<hbm>>
      tpu.wait_dma2 semaphore(%run_scoped3A : memref<!tpu.dma_semaphore, #tpu.memory_space<semaphore_mem>>) src(%dma_wait3A_185 : memref<32x128xi32, #tpu.memory_space<hbm>>) dst(%arg8 : memref<32x128xi32, #tpu.memory_space<vmem>>)
      tpu.yield
    }) : () -> ()
    "tpu.region"() ({
      %run_scoped3A = tpu.sem_alloc : memref<!tpu.dma_semaphore, #tpu.memory_space<semaphore_mem>>
      %dma_start3A_170 = tpu.memref_slice %arg5[%mul3A_2] : memref<4096xi32, #tpu.memory_space<hbm>> -> memref<128xi32, #tpu.memory_space<hbm>>
      %dma_start3A_171 = tpu.memref_slice %arg5[%mul3A_2] : memref<4096xi32, #tpu.memory_space<hbm>> -> memref<128xi32, #tpu.memory_space<hbm>>
      tpu.enqueue_dma source(%dma_start3A_171 : memref<128xi32, #tpu.memory_space<hbm>>) target(%arg10 : memref<128xi32, #tpu.memory_space<vmem>>) target_semaphore(%run_scoped3A : memref<!tpu.dma_semaphore, #tpu.memory_space<semaphore_mem>>)
      %dma_wait3A_172 = tpu.memref_slice %arg5[%mul3A_2] : memref<4096xi32, #tpu.memory_space<hbm>> -> memref<128xi32, #tpu.memory_space<hbm>>
      %dma_wait3A_173 = tpu.memref_slice %arg5[%mul3A_2] : memref<4096xi32, #tpu.memory_space<hbm>> -> memref<128xi32, #tpu.memory_space<hbm>>
      tpu.wait_dma2 semaphore(%run_scoped3A : memref<!tpu.dma_semaphore, #tpu.memory_space<semaphore_mem>>) src(%dma_wait3A_173 : memref<128xi32, #tpu.memory_space<hbm>>) dst(%arg10 : memref<128xi32, #tpu.memory_space<vmem>>)
      tpu.yield
    }) : () -> ()
    "tpu.region"() ({
      %run_scoped3A = tpu.sem_alloc : memref<!tpu.dma_semaphore, #tpu.memory_space<semaphore_mem>>
      %dma_start3A_170 = tpu.memref_slice %arg3[%mul3A_2] : memref<4096xi32, #tpu.memory_space<hbm>> -> memref<128xi32, #tpu.memory_space<hbm>>
      %dma_start3A_171 = tpu.memref_slice %arg3[%mul3A_2] : memref<4096xi32, #tpu.memory_space<hbm>> -> memref<128xi32, #tpu.memory_space<hbm>>
      tpu.enqueue_dma source(%dma_start3A_171 : memref<128xi32, #tpu.memory_space<hbm>>) target(%arg9 : memref<128xi32, #tpu.memory_space<vmem>>) target_semaphore(%run_scoped3A : memref<!tpu.dma_semaphore, #tpu.memory_space<semaphore_mem>>)
      %dma_wait3A_172 = tpu.memref_slice %arg3[%mul3A_2] : memref<4096xi32, #tpu.memory_space<hbm>> -> memref<128xi32, #tpu.memory_space<hbm>>
      %dma_wait3A_173 = tpu.memref_slice %arg3[%mul3A_2] : memref<4096xi32, #tpu.memory_space<hbm>> -> memref<128xi32, #tpu.memory_space<hbm>>
      tpu.wait_dma2 semaphore(%run_scoped3A : memref<!tpu.dma_semaphore, #tpu.memory_space<semaphore_mem>>) src(%dma_wait3A_173 : memref<128xi32, #tpu.memory_space<hbm>>) dst(%arg9 : memref<128xi32, #tpu.memory_space<vmem>>)
      tpu.yield
    }) : () -> ()
    %dma_start3A = arith.constant 0 : i32
    %dma_start3A_5 = arith.constant 0 : i32
    %dma_start3A_6 = tpu.memref_slice %arg2[%dma_start3A, %dma_start3A_5] : memref<10000x128xf32, #tpu.memory_space<hbm>> -> memref<10000x128xf32, #tpu.memory_space<hbm>>
    tpu.enqueue_indirect_dma source(%dma_start3A_6 : memref<10000x128xf32, #tpu.memory_space<hbm>>) target(%arg11 : memref<128x128xf32, #tpu.memory_space<vmem>>) offsets(%arg9 : memref<128xi32, #tpu.memory_space<vmem>>) semaphore(%arg25 : memref<!tpu.dma_semaphore, #tpu.memory_space<semaphore_mem>>)
    %dma_start3A_7 = arith.constant 0 : i32
    %dma_start3A_8 = arith.constant 0 : i32
    %dma_start3A_9 = tpu.memref_slice %arg8[%dma_start3A_7, %dma_start3A_8] : memref<32x128xi32, #tpu.memory_space<vmem>> -> memref<1x128xi32, #tpu.memory_space<vmem>>
    %dma_start3A_10 = tpu.memref_squeeze %dma_start3A_9 : memref<1x128xi32, #tpu.memory_space<vmem>> -> memref<128xi32, #tpu.memory_space<vmem>>
    %dma_start3A_11 = arith.constant 0 : i32
    %dma_start3A_12 = arith.constant 0 : i32
    %dma_start3A_13 = tpu.memref_slice %arg2[%dma_start3A_11, %dma_start3A_12] : memref<10000x128xf32, #tpu.memory_space<hbm>> -> memref<10000x128xf32, #tpu.memory_space<hbm>>
    tpu.enqueue_indirect_dma source(%dma_start3A_13 : memref<10000x128xf32, #tpu.memory_space<hbm>>) target(%arg13 : memref<128x128xf32, #tpu.memory_space<vmem>>) offsets(%dma_start3A_10 : memref<128xi32, #tpu.memory_space<vmem>>) semaphore(%arg17 : memref<!tpu.dma_semaphore, #tpu.memory_space<semaphore_mem>>)
    %dma_start3A_14 = arith.constant 1 : i32
    %dma_start3A_15 = arith.constant 0 : i32
    %dma_start3A_16 = tpu.memref_slice %arg8[%dma_start3A_14, %dma_start3A_15] : memref<32x128xi32, #tpu.memory_space<vmem>> -> memref<1x128xi32, #tpu.memory_space<vmem>>
    %dma_start3A_17 = tpu.memref_squeeze %dma_start3A_16 : memref<1x128xi32, #tpu.memory_space<vmem>> -> memref<128xi32, #tpu.memory_space<vmem>>
    %dma_start3A_18 = arith.constant 0 : i32
    %dma_start3A_19 = arith.constant 0 : i32
    %dma_start3A_20 = tpu.memref_slice %arg2[%dma_start3A_18, %dma_start3A_19] : memref<10000x128xf32, #tpu.memory_space<hbm>> -> memref<10000x128xf32, #tpu.memory_space<hbm>>
    tpu.enqueue_indirect_dma source(%dma_start3A_20 : memref<10000x128xf32, #tpu.memory_space<hbm>>) target(%arg14 : memref<128x128xf32, #tpu.memory_space<vmem>>) offsets(%dma_start3A_17 : memref<128xi32, #tpu.memory_space<vmem>>) semaphore(%arg18 : memref<!tpu.dma_semaphore, #tpu.memory_space<semaphore_mem>>)
    %dma_start3A_21 = arith.constant 2 : i32
    %dma_start3A_22 = arith.constant 0 : i32
    %dma_start3A_23 = tpu.memref_slice %arg8[%dma_start3A_21, %dma_start3A_22] : memref<32x128xi32, #tpu.memory_space<vmem>> -> memref<1x128xi32, #tpu.memory_space<vmem>>
    %dma_start3A_24 = tpu.memref_squeeze %dma_start3A_23 : memref<1x128xi32, #tpu.memory_space<vmem>> -> memref<128xi32, #tpu.memory_space<vmem>>
    %dma_start3A_25 = arith.constant 0 : i32
    %dma_start3A_26 = arith.constant 0 : i32
    %dma_start3A_27 = tpu.memref_slice %arg2[%dma_start3A_25, %dma_start3A_26] : memref<10000x128xf32, #tpu.memory_space<hbm>> -> memref<10000x128xf32, #tpu.memory_space<hbm>>
    tpu.enqueue_indirect_dma source(%dma_start3A_27 : memref<10000x128xf32, #tpu.memory_space<hbm>>) target(%arg15 : memref<128x128xf32, #tpu.memory_space<vmem>>) offsets(%dma_start3A_24 : memref<128xi32, #tpu.memory_space<vmem>>) semaphore(%arg19 : memref<!tpu.dma_semaphore, #tpu.memory_space<semaphore_mem>>)
    %dma_start3A_28 = arith.constant 3 : i32
    %dma_start3A_29 = arith.constant 0 : i32
    %dma_start3A_30 = tpu.memref_slice %arg8[%dma_start3A_28, %dma_start3A_29] : memref<32x128xi32, #tpu.memory_space<vmem>> -> memref<1x128xi32, #tpu.memory_space<vmem>>
    %dma_start3A_31 = tpu.memref_squeeze %dma_start3A_30 : memref<1x128xi32, #tpu.memory_space<vmem>> -> memref<128xi32, #tpu.memory_space<vmem>>
    %dma_start3A_32 = arith.constant 0 : i32
    %dma_start3A_33 = arith.constant 0 : i32
    %dma_start3A_34 = tpu.memref_slice %arg2[%dma_start3A_32, %dma_start3A_33] : memref<10000x128xf32, #tpu.memory_space<hbm>> -> memref<10000x128xf32, #tpu.memory_space<hbm>>
    tpu.enqueue_indirect_dma source(%dma_start3A_34 : memref<10000x128xf32, #tpu.memory_space<hbm>>) target(%arg16 : memref<128x128xf32, #tpu.memory_space<vmem>>) offsets(%dma_start3A_31 : memref<128xi32, #tpu.memory_space<vmem>>) semaphore(%arg20 : memref<!tpu.dma_semaphore, #tpu.memory_space<semaphore_mem>>)
    %dma_wait3A = arith.constant 0 : i32
    %dma_wait3A_35 = arith.constant 0 : i32
    %dma_wait3A_36 = tpu.memref_slice %arg2[%dma_wait3A, %dma_wait3A_35] : memref<10000x128xf32, #tpu.memory_space<hbm>> -> memref<128x128xf32, #tpu.memory_space<hbm>>
    %dma_wait3A_37 = arith.constant 0 : i32
    %dma_wait3A_38 = arith.constant 0 : i32
    %dma_wait3A_39 = tpu.memref_slice %arg2[%dma_wait3A_37, %dma_wait3A_38] : memref<10000x128xf32, #tpu.memory_space<hbm>> -> memref<128x128xf32, #tpu.memory_space<hbm>>
    tpu.wait_dma2 semaphore(%arg17 : memref<!tpu.dma_semaphore, #tpu.memory_space<semaphore_mem>>) src(%dma_wait3A_39 : memref<128x128xf32, #tpu.memory_space<hbm>>) dst(%arg13 : memref<128x128xf32, #tpu.memory_space<vmem>>)
    "tpu.region"() ({
      %run_scoped3A = tpu.sem_alloc : memref<!tpu.dma_semaphore, #tpu.memory_space<semaphore_mem>>
      %dma_start3A_170 = arith.constant 0 : i32
      %dma_start3A_171 = arith.constant 0 : i32
      %dma_start3A_172 = tpu.memref_slice %arg12[%dma_start3A_170, %dma_start3A_171] : memref<2048x128xf32, #tpu.memory_space<vmem_shared>> -> memref<2048x128xf32, #tpu.memory_space<vmem_shared>>
      tpu.enqueue_indirect_dma source(%arg13 : memref<128x128xf32, #tpu.memory_space<vmem>>) target(%dma_start3A_172 : memref<2048x128xf32, #tpu.memory_space<vmem_shared>>) offsets(%arg10 : memref<128xi32, #tpu.memory_space<vmem>>) semaphore(%run_scoped3A : memref<!tpu.dma_semaphore, #tpu.memory_space<semaphore_mem>>)
      %dma_wait3A_173 = arith.constant 0 : i32
      %dma_wait3A_174 = arith.constant 0 : i32
      %dma_wait3A_175 = tpu.memref_slice %arg12[%dma_wait3A_173, %dma_wait3A_174] : memref<2048x128xf32, #tpu.memory_space<vmem_shared>> -> memref<2048x128xf32, #tpu.memory_space<vmem_shared>>
      tpu.wait_indirect_dma semaphore(%run_scoped3A : memref<!tpu.dma_semaphore, #tpu.memory_space<semaphore_mem>>) src(%arg13 : memref<128x128xf32, #tpu.memory_space<vmem>>) dst(%dma_wait3A_175 : memref<2048x128xf32, #tpu.memory_space<vmem_shared>>)
      tpu.yield
    }) : () -> ()
    %dma_start3A_40 = arith.constant 4 : i32
    %dma_start3A_41 = arith.constant 0 : i32
    %dma_start3A_42 = tpu.memref_slice %arg8[%dma_start3A_40, %dma_start3A_41] : memref<32x128xi32, #tpu.memory_space<vmem>> -> memref<1x128xi32, #tpu.memory_space<vmem>>
    %dma_start3A_43 = tpu.memref_squeeze %dma_start3A_42 : memref<1x128xi32, #tpu.memory_space<vmem>> -> memref<128xi32, #tpu.memory_space<vmem>>
    %dma_start3A_44 = arith.constant 0 : i32
    %dma_start3A_45 = arith.constant 0 : i32
    %dma_start3A_46 = tpu.memref_slice %arg2[%dma_start3A_44, %dma_start3A_45] : memref<10000x128xf32, #tpu.memory_space<hbm>> -> memref<10000x128xf32, #tpu.memory_space<hbm>>
    tpu.enqueue_indirect_dma source(%dma_start3A_46 : memref<10000x128xf32, #tpu.memory_space<hbm>>) target(%arg13 : memref<128x128xf32, #tpu.memory_space<vmem>>) offsets(%dma_start3A_43 : memref<128xi32, #tpu.memory_space<vmem>>) semaphore(%arg17 : memref<!tpu.dma_semaphore, #tpu.memory_space<semaphore_mem>>)
    %dma_wait3A_47 = arith.constant 0 : i32
    %dma_wait3A_48 = arith.constant 0 : i32
    %dma_wait3A_49 = tpu.memref_slice %arg2[%dma_wait3A_47, %dma_wait3A_48] : memref<10000x128xf32, #tpu.memory_space<hbm>> -> memref<128x128xf32, #tpu.memory_space<hbm>>
    %dma_wait3A_50 = arith.constant 0 : i32
    %dma_wait3A_51 = arith.constant 0 : i32
    %dma_wait3A_52 = tpu.memref_slice %arg2[%dma_wait3A_50, %dma_wait3A_51] : memref<10000x128xf32, #tpu.memory_space<hbm>> -> memref<128x128xf32, #tpu.memory_space<hbm>>
    tpu.wait_dma2 semaphore(%arg18 : memref<!tpu.dma_semaphore, #tpu.memory_space<semaphore_mem>>) src(%dma_wait3A_52 : memref<128x128xf32, #tpu.memory_space<hbm>>) dst(%arg14 : memref<128x128xf32, #tpu.memory_space<vmem>>)
    %dma_start3A_53 = arith.constant 0 : i32
    %dma_start3A_54 = arith.constant 0 : i32
    %dma_start3A_55 = tpu.memref_slice %arg12[%dma_start3A_53, %dma_start3A_54] : memref<2048x128xf32, #tpu.memory_space<vmem_shared>> -> memref<2048x128xf32, #tpu.memory_space<vmem_shared>>
    tpu.enqueue_indirect_dma source(%arg14 : memref<128x128xf32, #tpu.memory_space<vmem>>) target(%dma_start3A_55 : memref<2048x128xf32, #tpu.memory_space<vmem_shared>>) offsets(%arg10 : memref<128xi32, #tpu.memory_space<vmem>>) semaphore(%arg22 : memref<!tpu.dma_semaphore, #tpu.memory_space<semaphore_mem>>) {add = true}
    %dma_wait3A_56 = arith.constant 0 : i32
    %dma_wait3A_57 = tpu.memref_slice %arg12[%mul3A_4, %dma_wait3A_56] : memref<2048x128xf32, #tpu.memory_space<vmem_shared>> -> memref<128x128xf32, #tpu.memory_space<vmem_shared>>
    %dma_wait3A_58 = arith.constant 0 : i32
    %dma_wait3A_59 = tpu.memref_slice %arg12[%mul3A_4, %dma_wait3A_58] : memref<2048x128xf32, #tpu.memory_space<vmem_shared>> -> memref<128x128xf32, #tpu.memory_space<vmem_shared>>
    tpu.wait_dma2 semaphore(%arg22 : memref<!tpu.dma_semaphore, #tpu.memory_space<semaphore_mem>>) src(%arg14 : memref<128x128xf32, #tpu.memory_space<vmem>>) dst(%dma_wait3A_59 : memref<128x128xf32, #tpu.memory_space<vmem_shared>>)
    %dma_start3A_60 = arith.constant 5 : i32
    %dma_start3A_61 = arith.constant 0 : i32
    %dma_start3A_62 = tpu.memref_slice %arg8[%dma_start3A_60, %dma_start3A_61] : memref<32x128xi32, #tpu.memory_space<vmem>> -> memref<1x128xi32, #tpu.memory_space<vmem>>
    %dma_start3A_63 = tpu.memref_squeeze %dma_start3A_62 : memref<1x128xi32, #tpu.memory_space<vmem>> -> memref<128xi32, #tpu.memory_space<vmem>>
    %dma_start3A_64 = arith.constant 0 : i32
    %dma_start3A_65 = arith.constant 0 : i32
    %dma_start3A_66 = tpu.memref_slice %arg2[%dma_start3A_64, %dma_start3A_65] : memref<10000x128xf32, #tpu.memory_space<hbm>> -> memref<10000x128xf32, #tpu.memory_space<hbm>>
    tpu.enqueue_indirect_dma source(%dma_start3A_66 : memref<10000x128xf32, #tpu.memory_space<hbm>>) target(%arg14 : memref<128x128xf32, #tpu.memory_space<vmem>>) offsets(%dma_start3A_63 : memref<128xi32, #tpu.memory_space<vmem>>) semaphore(%arg18 : memref<!tpu.dma_semaphore, #tpu.memory_space<semaphore_mem>>)
    %dma_wait3A_67 = arith.constant 0 : i32
    %dma_wait3A_68 = arith.constant 0 : i32
    %dma_wait3A_69 = tpu.memref_slice %arg2[%dma_wait3A_67, %dma_wait3A_68] : memref<10000x128xf32, #tpu.memory_space<hbm>> -> memref<128x128xf32, #tpu.memory_space<hbm>>
    %dma_wait3A_70 = arith.constant 0 : i32
    %dma_wait3A_71 = arith.constant 0 : i32
    %dma_wait3A_72 = tpu.memref_slice %arg2[%dma_wait3A_70, %dma_wait3A_71] : memref<10000x128xf32, #tpu.memory_space<hbm>> -> memref<128x128xf32, #tpu.memory_space<hbm>>
    tpu.wait_dma2 semaphore(%arg19 : memref<!tpu.dma_semaphore, #tpu.memory_space<semaphore_mem>>) src(%dma_wait3A_72 : memref<128x128xf32, #tpu.memory_space<hbm>>) dst(%arg15 : memref<128x128xf32, #tpu.memory_space<vmem>>)
    %dma_start3A_73 = arith.constant 0 : i32
    %dma_start3A_74 = arith.constant 0 : i32
    %dma_start3A_75 = tpu.memref_slice %arg12[%dma_start3A_73, %dma_start3A_74] : memref<2048x128xf32, #tpu.memory_space<vmem_shared>> -> memref<2048x128xf32, #tpu.memory_space<vmem_shared>>
    tpu.enqueue_indirect_dma source(%arg15 : memref<128x128xf32, #tpu.memory_space<vmem>>) target(%dma_start3A_75 : memref<2048x128xf32, #tpu.memory_space<vmem_shared>>) offsets(%arg10 : memref<128xi32, #tpu.memory_space<vmem>>) semaphore(%arg23 : memref<!tpu.dma_semaphore, #tpu.memory_space<semaphore_mem>>) {add = true}
    %dma_wait3A_76 = arith.constant 0 : i32
    %dma_wait3A_77 = tpu.memref_slice %arg12[%mul3A_4, %dma_wait3A_76] : memref<2048x128xf32, #tpu.memory_space<vmem_shared>> -> memref<128x128xf32, #tpu.memory_space<vmem_shared>>
    %dma_wait3A_78 = arith.constant 0 : i32
    %dma_wait3A_79 = tpu.memref_slice %arg12[%mul3A_4, %dma_wait3A_78] : memref<2048x128xf32, #tpu.memory_space<vmem_shared>> -> memref<128x128xf32, #tpu.memory_space<vmem_shared>>
    tpu.wait_dma2 semaphore(%arg23 : memref<!tpu.dma_semaphore, #tpu.memory_space<semaphore_mem>>) src(%arg15 : memref<128x128xf32, #tpu.memory_space<vmem>>) dst(%dma_wait3A_79 : memref<128x128xf32, #tpu.memory_space<vmem_shared>>)
    %dma_start3A_80 = arith.constant 6 : i32
    %dma_start3A_81 = arith.constant 0 : i32
    %dma_start3A_82 = tpu.memref_slice %arg8[%dma_start3A_80, %dma_start3A_81] : memref<32x128xi32, #tpu.memory_space<vmem>> -> memref<1x128xi32, #tpu.memory_space<vmem>>
    %dma_start3A_83 = tpu.memref_squeeze %dma_start3A_82 : memref<1x128xi32, #tpu.memory_space<vmem>> -> memref<128xi32, #tpu.memory_space<vmem>>
    %dma_start3A_84 = arith.constant 0 : i32
    %dma_start3A_85 = arith.constant 0 : i32
    %dma_start3A_86 = tpu.memref_slice %arg2[%dma_start3A_84, %dma_start3A_85] : memref<10000x128xf32, #tpu.memory_space<hbm>> -> memref<10000x128xf32, #tpu.memory_space<hbm>>
    tpu.enqueue_indirect_dma source(%dma_start3A_86 : memref<10000x128xf32, #tpu.memory_space<hbm>>) target(%arg15 : memref<128x128xf32, #tpu.memory_space<vmem>>) offsets(%dma_start3A_83 : memref<128xi32, #tpu.memory_space<vmem>>) semaphore(%arg19 : memref<!tpu.dma_semaphore, #tpu.memory_space<semaphore_mem>>)
    %dma_wait3A_87 = arith.constant 0 : i32
    %dma_wait3A_88 = arith.constant 0 : i32
    %dma_wait3A_89 = tpu.memref_slice %arg2[%dma_wait3A_87, %dma_wait3A_88] : memref<10000x128xf32, #tpu.memory_space<hbm>> -> memref<128x128xf32, #tpu.memory_space<hbm>>
    %dma_wait3A_90 = arith.constant 0 : i32
    %dma_wait3A_91 = arith.constant 0 : i32
    %dma_wait3A_92 = tpu.memref_slice %arg2[%dma_wait3A_90, %dma_wait3A_91] : memref<10000x128xf32, #tpu.memory_space<hbm>> -> memref<128x128xf32, #tpu.memory_space<hbm>>
    tpu.wait_dma2 semaphore(%arg20 : memref<!tpu.dma_semaphore, #tpu.memory_space<semaphore_mem>>) src(%dma_wait3A_92 : memref<128x128xf32, #tpu.memory_space<hbm>>) dst(%arg16 : memref<128x128xf32, #tpu.memory_space<vmem>>)
    %dma_start3A_93 = arith.constant 0 : i32
    %dma_start3A_94 = arith.constant 0 : i32
    %dma_start3A_95 = tpu.memref_slice %arg12[%dma_start3A_93, %dma_start3A_94] : memref<2048x128xf32, #tpu.memory_space<vmem_shared>> -> memref<2048x128xf32, #tpu.memory_space<vmem_shared>>
    tpu.enqueue_indirect_dma source(%arg16 : memref<128x128xf32, #tpu.memory_space<vmem>>) target(%dma_start3A_95 : memref<2048x128xf32, #tpu.memory_space<vmem_shared>>) offsets(%arg10 : memref<128xi32, #tpu.memory_space<vmem>>) semaphore(%arg24 : memref<!tpu.dma_semaphore, #tpu.memory_space<semaphore_mem>>) {add = true}
    %dma_wait3A_96 = arith.constant 0 : i32
    %dma_wait3A_97 = tpu.memref_slice %arg12[%mul3A_4, %dma_wait3A_96] : memref<2048x128xf32, #tpu.memory_space<vmem_shared>> -> memref<128x128xf32, #tpu.memory_space<vmem_shared>>
    %dma_wait3A_98 = arith.constant 0 : i32
    %dma_wait3A_99 = tpu.memref_slice %arg12[%mul3A_4, %dma_wait3A_98] : memref<2048x128xf32, #tpu.memory_space<vmem_shared>> -> memref<128x128xf32, #tpu.memory_space<vmem_shared>>
    tpu.wait_dma2 semaphore(%arg24 : memref<!tpu.dma_semaphore, #tpu.memory_space<semaphore_mem>>) src(%arg16 : memref<128x128xf32, #tpu.memory_space<vmem>>) dst(%dma_wait3A_99 : memref<128x128xf32, #tpu.memory_space<vmem_shared>>)
    %dma_start3A_100 = arith.constant 7 : i32
    %dma_start3A_101 = arith.constant 0 : i32
    %dma_start3A_102 = tpu.memref_slice %arg8[%dma_start3A_100, %dma_start3A_101] : memref<32x128xi32, #tpu.memory_space<vmem>> -> memref<1x128xi32, #tpu.memory_space<vmem>>
    %dma_start3A_103 = tpu.memref_squeeze %dma_start3A_102 : memref<1x128xi32, #tpu.memory_space<vmem>> -> memref<128xi32, #tpu.memory_space<vmem>>
    %dma_start3A_104 = arith.constant 0 : i32
    %dma_start3A_105 = arith.constant 0 : i32
    %dma_start3A_106 = tpu.memref_slice %arg2[%dma_start3A_104, %dma_start3A_105] : memref<10000x128xf32, #tpu.memory_space<hbm>> -> memref<10000x128xf32, #tpu.memory_space<hbm>>
    tpu.enqueue_indirect_dma source(%dma_start3A_106 : memref<10000x128xf32, #tpu.memory_space<hbm>>) target(%arg16 : memref<128x128xf32, #tpu.memory_space<vmem>>) offsets(%dma_start3A_103 : memref<128xi32, #tpu.memory_space<vmem>>) semaphore(%arg20 : memref<!tpu.dma_semaphore, #tpu.memory_space<semaphore_mem>>)
    %scan3A = arith.constant 0 : i32
    %scan3A_107 = arith.constant 1 : i32
    %scan3A_108 = arith.constant 6 : i32
    %scan3A_109 = arith.addi %scan3A_107, %scan3A_108 : i32
    %scan3A_110 = arith.constant 1 : i32
    scf.for %scan3A_170 = %scan3A_107 to %scan3A_109 step %scan3A_110  : i32 {
      %mul3A_171 = arith.constant 4 : i32
      %mul3A_172 = arith.muli %scan3A_170, %mul3A_171 : i32
      %add3A_173 = arith.constant 0 : i32
      %add3A_174 = arith.addi %mul3A_172, %add3A_173 : i32
      %add3A_175 = arith.constant 4 : i32
      %add3A_176 = arith.addi %add3A_174, %add3A_175 : i32
      %dma_wait3A_177 = arith.constant 0 : i32
      %dma_wait3A_178 = arith.constant 0 : i32
      %dma_wait3A_179 = tpu.memref_slice %arg2[%dma_wait3A_177, %dma_wait3A_178] : memref<10000x128xf32, #tpu.memory_space<hbm>> -> memref<128x128xf32, #tpu.memory_space<hbm>>
      %dma_wait3A_180 = arith.constant 0 : i32
      %dma_wait3A_181 = arith.constant 0 : i32
      %dma_wait3A_182 = tpu.memref_slice %arg2[%dma_wait3A_180, %dma_wait3A_181] : memref<10000x128xf32, #tpu.memory_space<hbm>> -> memref<128x128xf32, #tpu.memory_space<hbm>>
      tpu.wait_dma2 semaphore(%arg17 : memref<!tpu.dma_semaphore, #tpu.memory_space<semaphore_mem>>) src(%dma_wait3A_182 : memref<128x128xf32, #tpu.memory_space<hbm>>) dst(%arg13 : memref<128x128xf32, #tpu.memory_space<vmem>>)
      %dma_start3A_183 = arith.constant 0 : i32
      %dma_start3A_184 = arith.constant 0 : i32
      %dma_start3A_185 = tpu.memref_slice %arg12[%dma_start3A_183, %dma_start3A_184] : memref<2048x128xf32, #tpu.memory_space<vmem_shared>> -> memref<2048x128xf32, #tpu.memory_space<vmem_shared>>
      tpu.enqueue_indirect_dma source(%arg13 : memref<128x128xf32, #tpu.memory_space<vmem>>) target(%dma_start3A_185 : memref<2048x128xf32, #tpu.memory_space<vmem_shared>>) offsets(%arg10 : memref<128xi32, #tpu.memory_space<vmem>>) semaphore(%arg21 : memref<!tpu.dma_semaphore, #tpu.memory_space<semaphore_mem>>) {add = true}
      %dma_wait3A_186 = arith.constant 0 : i32
      %dma_wait3A_187 = tpu.memref_slice %arg12[%mul3A_4, %dma_wait3A_186] : memref<2048x128xf32, #tpu.memory_space<vmem_shared>> -> memref<128x128xf32, #tpu.memory_space<vmem_shared>>
      %dma_wait3A_188 = arith.constant 0 : i32
      %dma_wait3A_189 = tpu.memref_slice %arg12[%mul3A_4, %dma_wait3A_188] : memref<2048x128xf32, #tpu.memory_space<vmem_shared>> -> memref<128x128xf32, #tpu.memory_space<vmem_shared>>
      tpu.wait_dma2 semaphore(%arg21 : memref<!tpu.dma_semaphore, #tpu.memory_space<semaphore_mem>>) src(%arg13 : memref<128x128xf32, #tpu.memory_space<vmem>>) dst(%dma_wait3A_189 : memref<128x128xf32, #tpu.memory_space<vmem_shared>>)
      %dma_start3A_190 = arith.constant 0 : i32
      %dma_start3A_191 = tpu.memref_slice %arg8[%add3A_176, %dma_start3A_190] : memref<32x128xi32, #tpu.memory_space<vmem>> -> memref<1x128xi32, #tpu.memory_space<vmem>>
      %dma_start3A_192 = tpu.memref_squeeze %dma_start3A_191 : memref<1x128xi32, #tpu.memory_space<vmem>> -> memref<128xi32, #tpu.memory_space<vmem>>
      %dma_start3A_193 = arith.constant 0 : i32
      %dma_start3A_194 = arith.constant 0 : i32
      %dma_start3A_195 = tpu.memref_slice %arg2[%dma_start3A_193, %dma_start3A_194] : memref<10000x128xf32, #tpu.memory_space<hbm>> -> memref<10000x128xf32, #tpu.memory_space<hbm>>
      tpu.enqueue_indirect_dma source(%dma_start3A_195 : memref<10000x128xf32, #tpu.memory_space<hbm>>) target(%arg13 : memref<128x128xf32, #tpu.memory_space<vmem>>) offsets(%dma_start3A_192 : memref<128xi32, #tpu.memory_space<vmem>>) semaphore(%arg17 : memref<!tpu.dma_semaphore, #tpu.memory_space<semaphore_mem>>)
      %mul3A_196 = arith.constant 4 : i32
      %mul3A_197 = arith.muli %scan3A_170, %mul3A_196 : i32
      %add3A_198 = arith.constant 1 : i32
      %add3A_199 = arith.addi %mul3A_197, %add3A_198 : i32
      %add3A_200 = arith.constant 4 : i32
      %add3A_201 = arith.addi %add3A_199, %add3A_200 : i32
      %dma_wait3A_202 = arith.constant 0 : i32
      %dma_wait3A_203 = arith.constant 0 : i32
      %dma_wait3A_204 = tpu.memref_slice %arg2[%dma_wait3A_202, %dma_wait3A_203] : memref<10000x128xf32, #tpu.memory_space<hbm>> -> memref<128x128xf32, #tpu.memory_space<hbm>>
      %dma_wait3A_205 = arith.constant 0 : i32
      %dma_wait3A_206 = arith.constant 0 : i32
      %dma_wait3A_207 = tpu.memref_slice %arg2[%dma_wait3A_205, %dma_wait3A_206] : memref<10000x128xf32, #tpu.memory_space<hbm>> -> memref<128x128xf32, #tpu.memory_space<hbm>>
      tpu.wait_dma2 semaphore(%arg18 : memref<!tpu.dma_semaphore, #tpu.memory_space<semaphore_mem>>) src(%dma_wait3A_207 : memref<128x128xf32, #tpu.memory_space<hbm>>) dst(%arg14 : memref<128x128xf32, #tpu.memory_space<vmem>>)
      %dma_start3A_208 = arith.constant 0 : i32
      %dma_start3A_209 = arith.constant 0 : i32
      %dma_start3A_210 = tpu.memref_slice %arg12[%dma_start3A_208, %dma_start3A_209] : memref<2048x128xf32, #tpu.memory_space<vmem_shared>> -> memref<2048x128xf32, #tpu.memory_space<vmem_shared>>
      tpu.enqueue_indirect_dma source(%arg14 : memref<128x128xf32, #tpu.memory_space<vmem>>) target(%dma_start3A_210 : memref<2048x128xf32, #tpu.memory_space<vmem_shared>>) offsets(%arg10 : memref<128xi32, #tpu.memory_space<vmem>>) semaphore(%arg22 : memref<!tpu.dma_semaphore, #tpu.memory_space<semaphore_mem>>) {add = true}
      %dma_wait3A_211 = arith.constant 0 : i32
      %dma_wait3A_212 = tpu.memref_slice %arg12[%mul3A_4, %dma_wait3A_211] : memref<2048x128xf32, #tpu.memory_space<vmem_shared>> -> memref<128x128xf32, #tpu.memory_space<vmem_shared>>
      %dma_wait3A_213 = arith.constant 0 : i32
      %dma_wait3A_214 = tpu.memref_slice %arg12[%mul3A_4, %dma_wait3A_213] : memref<2048x128xf32, #tpu.memory_space<vmem_shared>> -> memref<128x128xf32, #tpu.memory_space<vmem_shared>>
      tpu.wait_dma2 semaphore(%arg22 : memref<!tpu.dma_semaphore, #tpu.memory_space<semaphore_mem>>) src(%arg14 : memref<128x128xf32, #tpu.memory_space<vmem>>) dst(%dma_wait3A_214 : memref<128x128xf32, #tpu.memory_space<vmem_shared>>)
      %dma_start3A_215 = arith.constant 0 : i32
      %dma_start3A_216 = tpu.memref_slice %arg8[%add3A_201, %dma_start3A_215] : memref<32x128xi32, #tpu.memory_space<vmem>> -> memref<1x128xi32, #tpu.memory_space<vmem>>
      %dma_start3A_217 = tpu.memref_squeeze %dma_start3A_216 : memref<1x128xi32, #tpu.memory_space<vmem>> -> memref<128xi32, #tpu.memory_space<vmem>>
      %dma_start3A_218 = arith.constant 0 : i32
      %dma_start3A_219 = arith.constant 0 : i32
      %dma_start3A_220 = tpu.memref_slice %arg2[%dma_start3A_218, %dma_start3A_219] : memref<10000x128xf32, #tpu.memory_space<hbm>> -> memref<10000x128xf32, #tpu.memory_space<hbm>>
      tpu.enqueue_indirect_dma source(%dma_start3A_220 : memref<10000x128xf32, #tpu.memory_space<hbm>>) target(%arg14 : memref<128x128xf32, #tpu.memory_space<vmem>>) offsets(%dma_start3A_217 : memref<128xi32, #tpu.memory_space<vmem>>) semaphore(%arg18 : memref<!tpu.dma_semaphore, #tpu.memory_space<semaphore_mem>>)
      %mul3A_221 = arith.constant 4 : i32
      %mul3A_222 = arith.muli %scan3A_170, %mul3A_221 : i32
      %add3A_223 = arith.constant 2 : i32
      %add3A_224 = arith.addi %mul3A_222, %add3A_223 : i32
      %add3A_225 = arith.constant 4 : i32
      %add3A_226 = arith.addi %add3A_224, %add3A_225 : i32
      %dma_wait3A_227 = arith.constant 0 : i32
      %dma_wait3A_228 = arith.constant 0 : i32
      %dma_wait3A_229 = tpu.memref_slice %arg2[%dma_wait3A_227, %dma_wait3A_228] : memref<10000x128xf32, #tpu.memory_space<hbm>> -> memref<128x128xf32, #tpu.memory_space<hbm>>
      %dma_wait3A_230 = arith.constant 0 : i32
      %dma_wait3A_231 = arith.constant 0 : i32
      %dma_wait3A_232 = tpu.memref_slice %arg2[%dma_wait3A_230, %dma_wait3A_231] : memref<10000x128xf32, #tpu.memory_space<hbm>> -> memref<128x128xf32, #tpu.memory_space<hbm>>
      tpu.wait_dma2 semaphore(%arg19 : memref<!tpu.dma_semaphore, #tpu.memory_space<semaphore_mem>>) src(%dma_wait3A_232 : memref<128x128xf32, #tpu.memory_space<hbm>>) dst(%arg15 : memref<128x128xf32, #tpu.memory_space<vmem>>)
      %dma_start3A_233 = arith.constant 0 : i32
      %dma_start3A_234 = arith.constant 0 : i32
      %dma_start3A_235 = tpu.memref_slice %arg12[%dma_start3A_233, %dma_start3A_234] : memref<2048x128xf32, #tpu.memory_space<vmem_shared>> -> memref<2048x128xf32, #tpu.memory_space<vmem_shared>>
      tpu.enqueue_indirect_dma source(%arg15 : memref<128x128xf32, #tpu.memory_space<vmem>>) target(%dma_start3A_235 : memref<2048x128xf32, #tpu.memory_space<vmem_shared>>) offsets(%arg10 : memref<128xi32, #tpu.memory_space<vmem>>) semaphore(%arg23 : memref<!tpu.dma_semaphore, #tpu.memory_space<semaphore_mem>>) {add = true}
      %dma_wait3A_236 = arith.constant 0 : i32
      %dma_wait3A_237 = tpu.memref_slice %arg12[%mul3A_4, %dma_wait3A_236] : memref<2048x128xf32, #tpu.memory_space<vmem_shared>> -> memref<128x128xf32, #tpu.memory_space<vmem_shared>>
      %dma_wait3A_238 = arith.constant 0 : i32
      %dma_wait3A_239 = tpu.memref_slice %arg12[%mul3A_4, %dma_wait3A_238] : memref<2048x128xf32, #tpu.memory_space<vmem_shared>> -> memref<128x128xf32, #tpu.memory_space<vmem_shared>>
      tpu.wait_dma2 semaphore(%arg23 : memref<!tpu.dma_semaphore, #tpu.memory_space<semaphore_mem>>) src(%arg15 : memref<128x128xf32, #tpu.memory_space<vmem>>) dst(%dma_wait3A_239 : memref<128x128xf32, #tpu.memory_space<vmem_shared>>)
      %dma_start3A_240 = arith.constant 0 : i32
      %dma_start3A_241 = tpu.memref_slice %arg8[%add3A_226, %dma_start3A_240] : memref<32x128xi32, #tpu.memory_space<vmem>> -> memref<1x128xi32, #tpu.memory_space<vmem>>
      %dma_start3A_242 = tpu.memref_squeeze %dma_start3A_241 : memref<1x128xi32, #tpu.memory_space<vmem>> -> memref<128xi32, #tpu.memory_space<vmem>>
      %dma_start3A_243 = arith.constant 0 : i32
      %dma_start3A_244 = arith.constant 0 : i32
      %dma_start3A_245 = tpu.memref_slice %arg2[%dma_start3A_243, %dma_start3A_244] : memref<10000x128xf32, #tpu.memory_space<hbm>> -> memref<10000x128xf32, #tpu.memory_space<hbm>>
      tpu.enqueue_indirect_dma source(%dma_start3A_245 : memref<10000x128xf32, #tpu.memory_space<hbm>>) target(%arg15 : memref<128x128xf32, #tpu.memory_space<vmem>>) offsets(%dma_start3A_242 : memref<128xi32, #tpu.memory_space<vmem>>) semaphore(%arg19 : memref<!tpu.dma_semaphore, #tpu.memory_space<semaphore_mem>>)
      %mul3A_246 = arith.constant 4 : i32
      %mul3A_247 = arith.muli %scan3A_170, %mul3A_246 : i32
      %add3A_248 = arith.constant 3 : i32
      %add3A_249 = arith.addi %mul3A_247, %add3A_248 : i32
      %add3A_250 = arith.constant 4 : i32
      %add3A_251 = arith.addi %add3A_249, %add3A_250 : i32
      %dma_wait3A_252 = arith.constant 0 : i32
      %dma_wait3A_253 = arith.constant 0 : i32
      %dma_wait3A_254 = tpu.memref_slice %arg2[%dma_wait3A_252, %dma_wait3A_253] : memref<10000x128xf32, #tpu.memory_space<hbm>> -> memref<128x128xf32, #tpu.memory_space<hbm>>
      %dma_wait3A_255 = arith.constant 0 : i32
      %dma_wait3A_256 = arith.constant 0 : i32
      %dma_wait3A_257 = tpu.memref_slice %arg2[%dma_wait3A_255, %dma_wait3A_256] : memref<10000x128xf32, #tpu.memory_space<hbm>> -> memref<128x128xf32, #tpu.memory_space<hbm>>
      tpu.wait_dma2 semaphore(%arg20 : memref<!tpu.dma_semaphore, #tpu.memory_space<semaphore_mem>>) src(%dma_wait3A_257 : memref<128x128xf32, #tpu.memory_space<hbm>>) dst(%arg16 : memref<128x128xf32, #tpu.memory_space<vmem>>)
      %dma_start3A_258 = arith.constant 0 : i32
      %dma_start3A_259 = arith.constant 0 : i32
      %dma_start3A_260 = tpu.memref_slice %arg12[%dma_start3A_258, %dma_start3A_259] : memref<2048x128xf32, #tpu.memory_space<vmem_shared>> -> memref<2048x128xf32, #tpu.memory_space<vmem_shared>>
      tpu.enqueue_indirect_dma source(%arg16 : memref<128x128xf32, #tpu.memory_space<vmem>>) target(%dma_start3A_260 : memref<2048x128xf32, #tpu.memory_space<vmem_shared>>) offsets(%arg10 : memref<128xi32, #tpu.memory_space<vmem>>) semaphore(%arg24 : memref<!tpu.dma_semaphore, #tpu.memory_space<semaphore_mem>>) {add = true}
      %dma_wait3A_261 = arith.constant 0 : i32
      %dma_wait3A_262 = tpu.memref_slice %arg12[%mul3A_4, %dma_wait3A_261] : memref<2048x128xf32, #tpu.memory_space<vmem_shared>> -> memref<128x128xf32, #tpu.memory_space<vmem_shared>>
      %dma_wait3A_263 = arith.constant 0 : i32
      %dma_wait3A_264 = tpu.memref_slice %arg12[%mul3A_4, %dma_wait3A_263] : memref<2048x128xf32, #tpu.memory_space<vmem_shared>> -> memref<128x128xf32, #tpu.memory_space<vmem_shared>>
      tpu.wait_dma2 semaphore(%arg24 : memref<!tpu.dma_semaphore, #tpu.memory_space<semaphore_mem>>) src(%arg16 : memref<128x128xf32, #tpu.memory_space<vmem>>) dst(%dma_wait3A_264 : memref<128x128xf32, #tpu.memory_space<vmem_shared>>)
      %dma_start3A_265 = arith.constant 0 : i32
      %dma_start3A_266 = tpu.memref_slice %arg8[%add3A_251, %dma_start3A_265] : memref<32x128xi32, #tpu.memory_space<vmem>> -> memref<1x128xi32, #tpu.memory_space<vmem>>
      %dma_start3A_267 = tpu.memref_squeeze %dma_start3A_266 : memref<1x128xi32, #tpu.memory_space<vmem>> -> memref<128xi32, #tpu.memory_space<vmem>>
      %dma_start3A_268 = arith.constant 0 : i32
      %dma_start3A_269 = arith.constant 0 : i32
      %dma_start3A_270 = tpu.memref_slice %arg2[%dma_start3A_268, %dma_start3A_269] : memref<10000x128xf32, #tpu.memory_space<hbm>> -> memref<10000x128xf32, #tpu.memory_space<hbm>>
      tpu.enqueue_indirect_dma source(%dma_start3A_270 : memref<10000x128xf32, #tpu.memory_space<hbm>>) target(%arg16 : memref<128x128xf32, #tpu.memory_space<vmem>>) offsets(%dma_start3A_267 : memref<128xi32, #tpu.memory_space<vmem>>) semaphore(%arg20 : memref<!tpu.dma_semaphore, #tpu.memory_space<semaphore_mem>>)
    }
    %scan3A_111 = arith.constant 6 : i32
    %dma_wait3A_112 = arith.constant 0 : i32
    %dma_wait3A_113 = arith.constant 0 : i32
    %dma_wait3A_114 = tpu.memref_slice %arg2[%dma_wait3A_112, %dma_wait3A_113] : memref<10000x128xf32, #tpu.memory_space<hbm>> -> memref<128x128xf32, #tpu.memory_space<hbm>>
    %dma_wait3A_115 = arith.constant 0 : i32
    %dma_wait3A_116 = arith.constant 0 : i32
    %dma_wait3A_117 = tpu.memref_slice %arg2[%dma_wait3A_115, %dma_wait3A_116] : memref<10000x128xf32, #tpu.memory_space<hbm>> -> memref<128x128xf32, #tpu.memory_space<hbm>>
    tpu.wait_dma2 semaphore(%arg17 : memref<!tpu.dma_semaphore, #tpu.memory_space<semaphore_mem>>) src(%dma_wait3A_117 : memref<128x128xf32, #tpu.memory_space<hbm>>) dst(%arg13 : memref<128x128xf32, #tpu.memory_space<vmem>>)
    %dma_start3A_118 = arith.constant 0 : i32
    %dma_start3A_119 = arith.constant 0 : i32
    %dma_start3A_120 = tpu.memref_slice %arg12[%dma_start3A_118, %dma_start3A_119] : memref<2048x128xf32, #tpu.memory_space<vmem_shared>> -> memref<2048x128xf32, #tpu.memory_space<vmem_shared>>
    tpu.enqueue_indirect_dma source(%arg13 : memref<128x128xf32, #tpu.memory_space<vmem>>) target(%dma_start3A_120 : memref<2048x128xf32, #tpu.memory_space<vmem_shared>>) offsets(%arg10 : memref<128xi32, #tpu.memory_space<vmem>>) semaphore(%arg21 : memref<!tpu.dma_semaphore, #tpu.memory_space<semaphore_mem>>) {add = true}
    %dma_wait3A_121 = arith.constant 0 : i32
    %dma_wait3A_122 = arith.constant 0 : i32
    %dma_wait3A_123 = tpu.memref_slice %arg2[%dma_wait3A_121, %dma_wait3A_122] : memref<10000x128xf32, #tpu.memory_space<hbm>> -> memref<128x128xf32, #tpu.memory_space<hbm>>
    %dma_wait3A_124 = arith.constant 0 : i32
    %dma_wait3A_125 = arith.constant 0 : i32
    %dma_wait3A_126 = tpu.memref_slice %arg2[%dma_wait3A_124, %dma_wait3A_125] : memref<10000x128xf32, #tpu.memory_space<hbm>> -> memref<128x128xf32, #tpu.memory_space<hbm>>
    tpu.wait_dma2 semaphore(%arg18 : memref<!tpu.dma_semaphore, #tpu.memory_space<semaphore_mem>>) src(%dma_wait3A_126 : memref<128x128xf32, #tpu.memory_space<hbm>>) dst(%arg14 : memref<128x128xf32, #tpu.memory_space<vmem>>)
    %dma_start3A_127 = arith.constant 0 : i32
    %dma_start3A_128 = arith.constant 0 : i32
    %dma_start3A_129 = tpu.memref_slice %arg12[%dma_start3A_127, %dma_start3A_128] : memref<2048x128xf32, #tpu.memory_space<vmem_shared>> -> memref<2048x128xf32, #tpu.memory_space<vmem_shared>>
    tpu.enqueue_indirect_dma source(%arg14 : memref<128x128xf32, #tpu.memory_space<vmem>>) target(%dma_start3A_129 : memref<2048x128xf32, #tpu.memory_space<vmem_shared>>) offsets(%arg10 : memref<128xi32, #tpu.memory_space<vmem>>) semaphore(%arg22 : memref<!tpu.dma_semaphore, #tpu.memory_space<semaphore_mem>>) {add = true}
    %dma_wait3A_130 = arith.constant 0 : i32
    %dma_wait3A_131 = arith.constant 0 : i32
    %dma_wait3A_132 = tpu.memref_slice %arg2[%dma_wait3A_130, %dma_wait3A_131] : memref<10000x128xf32, #tpu.memory_space<hbm>> -> memref<128x128xf32, #tpu.memory_space<hbm>>
    %dma_wait3A_133 = arith.constant 0 : i32
    %dma_wait3A_134 = arith.constant 0 : i32
    %dma_wait3A_135 = tpu.memref_slice %arg2[%dma_wait3A_133, %dma_wait3A_134] : memref<10000x128xf32, #tpu.memory_space<hbm>> -> memref<128x128xf32, #tpu.memory_space<hbm>>
    tpu.wait_dma2 semaphore(%arg19 : memref<!tpu.dma_semaphore, #tpu.memory_space<semaphore_mem>>) src(%dma_wait3A_135 : memref<128x128xf32, #tpu.memory_space<hbm>>) dst(%arg15 : memref<128x128xf32, #tpu.memory_space<vmem>>)
    %dma_start3A_136 = arith.constant 0 : i32
    %dma_start3A_137 = arith.constant 0 : i32
    %dma_start3A_138 = tpu.memref_slice %arg12[%dma_start3A_136, %dma_start3A_137] : memref<2048x128xf32, #tpu.memory_space<vmem_shared>> -> memref<2048x128xf32, #tpu.memory_space<vmem_shared>>
    tpu.enqueue_indirect_dma source(%arg15 : memref<128x128xf32, #tpu.memory_space<vmem>>) target(%dma_start3A_138 : memref<2048x128xf32, #tpu.memory_space<vmem_shared>>) offsets(%arg10 : memref<128xi32, #tpu.memory_space<vmem>>) semaphore(%arg23 : memref<!tpu.dma_semaphore, #tpu.memory_space<semaphore_mem>>) {add = true}
    %dma_wait3A_139 = arith.constant 0 : i32
    %dma_wait3A_140 = arith.constant 0 : i32
    %dma_wait3A_141 = tpu.memref_slice %arg2[%dma_wait3A_139, %dma_wait3A_140] : memref<10000x128xf32, #tpu.memory_space<hbm>> -> memref<128x128xf32, #tpu.memory_space<hbm>>
    %dma_wait3A_142 = arith.constant 0 : i32
    %dma_wait3A_143 = arith.constant 0 : i32
    %dma_wait3A_144 = tpu.memref_slice %arg2[%dma_wait3A_142, %dma_wait3A_143] : memref<10000x128xf32, #tpu.memory_space<hbm>> -> memref<128x128xf32, #tpu.memory_space<hbm>>
    tpu.wait_dma2 semaphore(%arg20 : memref<!tpu.dma_semaphore, #tpu.memory_space<semaphore_mem>>) src(%dma_wait3A_144 : memref<128x128xf32, #tpu.memory_space<hbm>>) dst(%arg16 : memref<128x128xf32, #tpu.memory_space<vmem>>)
    %dma_start3A_145 = arith.constant 0 : i32
    %dma_start3A_146 = arith.constant 0 : i32
    %dma_start3A_147 = tpu.memref_slice %arg12[%dma_start3A_145, %dma_start3A_146] : memref<2048x128xf32, #tpu.memory_space<vmem_shared>> -> memref<2048x128xf32, #tpu.memory_space<vmem_shared>>
    tpu.enqueue_indirect_dma source(%arg16 : memref<128x128xf32, #tpu.memory_space<vmem>>) target(%dma_start3A_147 : memref<2048x128xf32, #tpu.memory_space<vmem_shared>>) offsets(%arg10 : memref<128xi32, #tpu.memory_space<vmem>>) semaphore(%arg24 : memref<!tpu.dma_semaphore, #tpu.memory_space<semaphore_mem>>) {add = true}
    %dma_wait3A_148 = arith.constant 0 : i32
    %dma_wait3A_149 = tpu.memref_slice %arg12[%mul3A_4, %dma_wait3A_148] : memref<2048x128xf32, #tpu.memory_space<vmem_shared>> -> memref<128x128xf32, #tpu.memory_space<vmem_shared>>
    %dma_wait3A_150 = arith.constant 0 : i32
    %dma_wait3A_151 = tpu.memref_slice %arg12[%mul3A_4, %dma_wait3A_150] : memref<2048x128xf32, #tpu.memory_space<vmem_shared>> -> memref<128x128xf32, #tpu.memory_space<vmem_shared>>
    tpu.wait_dma2 semaphore(%arg21 : memref<!tpu.dma_semaphore, #tpu.memory_space<semaphore_mem>>) src(%arg13 : memref<128x128xf32, #tpu.memory_space<vmem>>) dst(%dma_wait3A_151 : memref<128x128xf32, #tpu.memory_space<vmem_shared>>)
    %dma_wait3A_152 = arith.constant 0 : i32
    %dma_wait3A_153 = tpu.memref_slice %arg12[%mul3A_4, %dma_wait3A_152] : memref<2048x128xf32, #tpu.memory_space<vmem_shared>> -> memref<128x128xf32, #tpu.memory_space<vmem_shared>>
    %dma_wait3A_154 = arith.constant 0 : i32
    %dma_wait3A_155 = tpu.memref_slice %arg12[%mul3A_4, %dma_wait3A_154] : memref<2048x128xf32, #tpu.memory_space<vmem_shared>> -> memref<128x128xf32, #tpu.memory_space<vmem_shared>>
    tpu.wait_dma2 semaphore(%arg22 : memref<!tpu.dma_semaphore, #tpu.memory_space<semaphore_mem>>) src(%arg14 : memref<128x128xf32, #tpu.memory_space<vmem>>) dst(%dma_wait3A_155 : memref<128x128xf32, #tpu.memory_space<vmem_shared>>)
    %dma_wait3A_156 = arith.constant 0 : i32
    %dma_wait3A_157 = tpu.memref_slice %arg12[%mul3A_4, %dma_wait3A_156] : memref<2048x128xf32, #tpu.memory_space<vmem_shared>> -> memref<128x128xf32, #tpu.memory_space<vmem_shared>>
    %dma_wait3A_158 = arith.constant 0 : i32
    %dma_wait3A_159 = tpu.memref_slice %arg12[%mul3A_4, %dma_wait3A_158] : memref<2048x128xf32, #tpu.memory_space<vmem_shared>> -> memref<128x128xf32, #tpu.memory_space<vmem_shared>>
    tpu.wait_dma2 semaphore(%arg23 : memref<!tpu.dma_semaphore, #tpu.memory_space<semaphore_mem>>) src(%arg15 : memref<128x128xf32, #tpu.memory_space<vmem>>) dst(%dma_wait3A_159 : memref<128x128xf32, #tpu.memory_space<vmem_shared>>)
    %dma_wait3A_160 = arith.constant 0 : i32
    %dma_wait3A_161 = tpu.memref_slice %arg12[%mul3A_4, %dma_wait3A_160] : memref<2048x128xf32, #tpu.memory_space<vmem_shared>> -> memref<128x128xf32, #tpu.memory_space<vmem_shared>>
    %dma_wait3A_162 = arith.constant 0 : i32
    %dma_wait3A_163 = tpu.memref_slice %arg12[%mul3A_4, %dma_wait3A_162] : memref<2048x128xf32, #tpu.memory_space<vmem_shared>> -> memref<128x128xf32, #tpu.memory_space<vmem_shared>>
    tpu.wait_dma2 semaphore(%arg24 : memref<!tpu.dma_semaphore, #tpu.memory_space<semaphore_mem>>) src(%arg16 : memref<128x128xf32, #tpu.memory_space<vmem>>) dst(%dma_wait3A_163 : memref<128x128xf32, #tpu.memory_space<vmem_shared>>)
    %dma_wait3A_164 = arith.constant 0 : i32
    %dma_wait3A_165 = arith.constant 0 : i32
    %dma_wait3A_166 = tpu.memref_slice %arg2[%dma_wait3A_164, %dma_wait3A_165] : memref<10000x128xf32, #tpu.memory_space<hbm>> -> memref<128x128xf32, #tpu.memory_space<hbm>>
    %dma_wait3A_167 = arith.constant 0 : i32
    %dma_wait3A_168 = arith.constant 0 : i32
    %dma_wait3A_169 = tpu.memref_slice %arg2[%dma_wait3A_167, %dma_wait3A_168] : memref<10000x128xf32, #tpu.memory_space<hbm>> -> memref<128x128xf32, #tpu.memory_space<hbm>>
    tpu.wait_dma2 semaphore(%arg25 : memref<!tpu.dma_semaphore, #tpu.memory_space<semaphore_mem>>) src(%dma_wait3A_169 : memref<128x128xf32, #tpu.memory_space<hbm>>) dst(%arg11 : memref<128x128xf32, #tpu.memory_space<vmem>>)
    "tpu.region"() ({
      %run_scoped3A = tpu.sem_alloc : memref<!tpu.dma_semaphore, #tpu.memory_space<semaphore_mem>>
      %dma_start3A_170 = arith.constant 0 : i32
      %dma_start3A_171 = tpu.memref_slice %arg6[%mul3A_2, %dma_start3A_170] : memref<4096x128xf32, #tpu.memory_space<hbm>> -> memref<128x128xf32, #tpu.memory_space<hbm>>
      %dma_start3A_172 = arith.constant 0 : i32
      %dma_start3A_173 = tpu.memref_slice %arg6[%mul3A_2, %dma_start3A_172] : memref<4096x128xf32, #tpu.memory_space<hbm>> -> memref<128x128xf32, #tpu.memory_space<hbm>>
      tpu.enqueue_dma source(%arg11 : memref<128x128xf32, #tpu.memory_space<vmem>>) target(%dma_start3A_173 : memref<128x128xf32, #tpu.memory_space<hbm>>) target_semaphore(%run_scoped3A : memref<!tpu.dma_semaphore, #tpu.memory_space<semaphore_mem>>)
      %dma_wait3A_174 = arith.constant 0 : i32
      %dma_wait3A_175 = tpu.memref_slice %arg6[%mul3A_2, %dma_wait3A_174] : memref<4096x128xf32, #tpu.memory_space<hbm>> -> memref<128x128xf32, #tpu.memory_space<hbm>>
      %dma_wait3A_176 = arith.constant 0 : i32
      %dma_wait3A_177 = tpu.memref_slice %arg6[%mul3A_2, %dma_wait3A_176] : memref<4096x128xf32, #tpu.memory_space<hbm>> -> memref<128x128xf32, #tpu.memory_space<hbm>>
      tpu.wait_dma2 semaphore(%run_scoped3A : memref<!tpu.dma_semaphore, #tpu.memory_space<semaphore_mem>>) src(%arg11 : memref<128x128xf32, #tpu.memory_space<vmem>>) dst(%dma_wait3A_177 : memref<128x128xf32, #tpu.memory_space<hbm>>)
      tpu.yield
    }) : () -> ()
    "tpu.region"() ({
      %run_scoped3A = tpu.sem_alloc : memref<!tpu.dma_semaphore, #tpu.memory_space<semaphore_mem>>
      %dma_start3A_170 = arith.constant 0 : i32
      %dma_start3A_171 = tpu.memref_slice %arg7[%mul3A_2, %dma_start3A_170] : memref<4096x128xf32, #tpu.memory_space<hbm>> -> memref<128x128xf32, #tpu.memory_space<hbm>>
      %dma_start3A_172 = arith.constant 0 : i32
      %dma_start3A_173 = tpu.memref_slice %arg12[%mul3A_4, %dma_start3A_172] : memref<2048x128xf32, #tpu.memory_space<vmem_shared>> -> memref<128x128xf32, #tpu.memory_space<vmem_shared>>
      tpu.enqueue_dma source(%dma_start3A_173 : memref<128x128xf32, #tpu.memory_space<vmem_shared>>) target(%dma_start3A_171 : memref<128x128xf32, #tpu.memory_space<hbm>>) target_semaphore(%run_scoped3A : memref<!tpu.dma_semaphore, #tpu.memory_space<semaphore_mem>>)
      %dma_wait3A_174 = arith.constant 0 : i32
      %dma_wait3A_175 = tpu.memref_slice %arg7[%mul3A_2, %dma_wait3A_174] : memref<4096x128xf32, #tpu.memory_space<hbm>> -> memref<128x128xf32, #tpu.memory_space<hbm>>
      %dma_wait3A_176 = arith.constant 0 : i32
      %dma_wait3A_177 = tpu.memref_slice %arg12[%mul3A_4, %dma_wait3A_176] : memref<2048x128xf32, #tpu.memory_space<vmem_shared>> -> memref<128x128xf32, #tpu.memory_space<vmem_shared>>
      tpu.wait_dma2 semaphore(%run_scoped3A : memref<!tpu.dma_semaphore, #tpu.memory_space<semaphore_mem>>) src(%dma_wait3A_177 : memref<128x128xf32, #tpu.memory_space<vmem_shared>>) dst(%dma_wait3A_175 : memref<128x128xf32, #tpu.memory_space<hbm>>)
      tpu.yield
    }) : () -> ()
    return
  }
}

module attributes {stable_mosaic.version = 14 : i64} {
  func.func @_tc_body(%arg0: i32, %arg1: memref<1024x128xf32, #tpu.memory_space<vmem>>, %arg2: memref<1024x128xf32, #tpu.memory_space<vmem>>, %arg3: memref<256x128xf32, #tpu.memory_space<vmem>>, %arg4: memref<128x1024xf32, #tpu.memory_space<vmem>>) attributes {dimension_semantics = [#tpu.dimension_semantics<arbitrary>], iteration_bounds = array<i64: 4>, scalar_prefetch = 0 : i64, scratch_operands = 0 : i64, tpu.core_type = #tpu.core_type<tc>, window_params = [{transform_indices = @transform_0, window_bounds = array<i64: 1024, 128>}, {transform_indices = @transform_1, window_bounds = array<i64: 1024, 128>}, {pipeline_mode = #tpu.pipeline_mode<synchronous>, transform_indices = @transform_2, window_bounds = array<i64: 256, 128>}, {transform_indices = @transform_3, window_bounds = array<i64: 128, 1024>}]} {
    %get3A = arith.constant 0 : index
    %get3A_0 = arith.constant 0 : index
    %get3A_1 = vector.load %arg3[%get3A, %get3A_0] : memref<256x128xf32, #tpu.memory_space<vmem>>, vector<128x128xf32>
    %get3A_2 = arith.constant 128 : index
    %get3A_3 = arith.constant 0 : index
    %get3A_4 = vector.load %arg3[%get3A_2, %get3A_3] : memref<256x128xf32, #tpu.memory_space<vmem>>, vector<128x128xf32>
    %mul3A = arith.constant 3.125000e-02 : f32
    %mul3A_5 = vector.broadcast %mul3A : f32 to vector<128x128xf32>
    %mul3A_6 = arith.mulf %get3A_4, %mul3A_5 : vector<128x128xf32>
    %get3A_7 = arith.constant 0 : index
    %get3A_8 = arith.constant 0 : index
    %get3A_9 = vector.load %arg1[%get3A_7, %get3A_8] : memref<1024x128xf32, #tpu.memory_space<vmem>>, vector<1024x128xf32>
    %dot_general3A = arith.constant dense<0.000000e+00> : vector<128x1024xf32>
    %dot_general3A_10 = tpu.matmul %get3A_1, %get3A_9, %dot_general3A {dimension_numbers = #tpu.dot_dimension_numbers<[0], [1], [1], [0], [0, 1, 1, 0], [], []>, transpose_lhs_hint = false} : vector<128x128xf32>, vector<1024x128xf32>, vector<128x1024xf32> -> vector<128x1024xf32>
    %get3A_11 = arith.constant 0 : index
    %get3A_12 = arith.constant 0 : index
    %get3A_13 = vector.load %arg2[%get3A_11, %get3A_12] : memref<1024x128xf32, #tpu.memory_space<vmem>>, vector<1024x128xf32>
    %dot_general3A_14 = arith.constant dense<0.000000e+00> : vector<128x1024xf32>
    %dot_general3A_15 = tpu.matmul %mul3A_6, %get3A_13, %dot_general3A_14 {dimension_numbers = #tpu.dot_dimension_numbers<[0], [1], [1], [0], [0, 1, 1, 0], [], []>, transpose_lhs_hint = false} : vector<128x128xf32>, vector<1024x128xf32>, vector<128x1024xf32> -> vector<128x1024xf32>
    %add3A = arith.addf %dot_general3A_10, %dot_general3A_15 : vector<128x1024xf32>
    %max3A = arith.constant 0.000000e+00 : f32
    %max3A_16 = vector.broadcast %max3A : f32 to vector<128x1024xf32>
    %max3A_17 = arith.maximumf %add3A, %max3A_16 : vector<128x1024xf32>
    %swap3A = arith.constant 0 : index
    %swap3A_18 = arith.constant 0 : index
    %swap3A_19 = vector.load %arg4[%swap3A, %swap3A_18] : memref<128x1024xf32, #tpu.memory_space<vmem>>, vector<128x1024xf32>
    tpu.vector_store %arg4[%swap3A, %swap3A_18], %max3A_17 {strides = array<i32>} : memref<128x1024xf32, #tpu.memory_space<vmem>>, vector<128x1024xf32>,
    return
  }
  func.func @transform_0(%arg0: i32) -> (i32, i32) {
    %c0_i32 = arith.constant 0 : i32
    %c0_i32_0 = arith.constant 0 : i32
    return %arg0, %c0_i32 : i32, i32
  }
  func.func @transform_1(%arg0: i32) -> (i32, i32) {
    %c0_i32 = arith.constant 0 : i32
    %c0_i32_0 = arith.constant 0 : i32
    return %arg0, %c0_i32 : i32, i32
  }
  func.func @transform_2(%arg0: i32) -> (i32, i32) {
    %c0_i32 = arith.constant 0 : i32
    %c0_i32_0 = arith.constant 0 : i32
    %c0_i32_1 = arith.constant 0 : i32
    return %c0_i32, %c0_i32_0 : i32, i32
  }
  func.func @transform_3(%arg0: i32) -> (i32, i32) {
    %c0_i32 = arith.constant 0 : i32
    %c0_i32_0 = arith.constant 0 : i32
    return %c0_i32, %arg0 : i32, i32
  }
}

</mosaic_0001>

<sc_bundles>
// kernel: kernel.4.cloned.1.call-start
scs
__scs_entry_jumppad:
0x0: {  	(pc) =	sbr.rel $0x88, $3  }
0x1: {  	(tag) =	ssettag $0x0;
	lr =	simm.s32 $0x1  }
0x2: {  	[smem:$0x3F9D] =	sst lr;
	_ =	strace $0xD0000000  }
0x3: {  	_ = 	snop  }
0x4: {  	_ = 	snop  }
0x5: {  	_ = 	snop  }
0x6: {  	_ = 	snop  }
0x7: {  	_ = 	snop  }
__scs_overlays_trampoline_lowered:
0x8: {  	[smem:$0x3FAC] =	sst s0  }
0x9: {  	[smem:$0x3FAD] =	sst s1  }
0xa: {  	[smem:$0x3FAE] =	sst s2  }
0xb: {  	[smem:$0x3FAF] =	sst s3  }
0xc: {  	[smem:$0x3FB0] =	sst s4  }
0xd: {  	[smem:$0x3FB1] =	sst s5  }
0xe: {  	[smem:$0x3FB2] =	sst s6  }
0xf: {  	[smem:$0x3FB3] =	sst s7  }
0x10: {  	[smem:$0x3FB4] =	sst s8  }
0x11: {  	[smem:$0x3FB5] =	sst s9;
	s0 =	simm.s32 @!p0 $0x0  }
0x12: {  	s1 =	sld [smem:$0x3F9B];
	s0 =	simm.s32 @p0 $0x1  }
0x13: {  	[smem:$0x3FB6] =	sst s0;
	s0 =	simm.s32 @!p1 $0x0  }
0x14: {  	s2 =	sld [smem:$0x3F9A];
	s0 =	simm.s32 @p1 $0x1  }
0x15: {  	[smem:$0x3FB7] =	sst s0;
	s0 =	simm.s32 @!p2 $0x0  }
0x16: {  	s3 =	sld [smem:$0x3FDB];
	s0 =	simm.s32 @p2 $0x1  }
0x17: {  	s4 =	simm.s32 $0x1BF5;
	[smem:$0x3FB9] =	sst s0  }
0x18: {  	s0 =	sld [smem:$0x3F9C];
	_ =	swait.ge [sflag:s4], $0x0  }
0x19: {  	s7 =	sld [smem:$0x3F9D]  }
0x1a: {  	s8 =	sadd.s32 $0xFFFFE003, lr  }
0x1b: {  	s9 =	sadd.s32 $0xFFFFFEF7, lr;
	s5 =	simm.s32 $0xFFFFFFFF;
	p2 =	slt.u32 s8, $0xFFFFF086  }
0x1c: {  	p1 =	slt.u32 s9, $0xF7A;
	s5 =	simm.s32 @!p2 $0x0  }
0x1d: {  	s5 =	simm.s32 @p1 $0x1;
	p0 =	seq.s32 s7, s2  }
0x1e: {  	s7 =	smul.u32 @!p0 $0xF7A, s2;
	p2 =	seq.s32 @!p0 s5, $0x0  }
0x1f: {  	s9 =	smul.u32 $0xF7A, s1;
	s8 =	simm.s32 @!p0 $0x1BF5;
	p2 =	por !p2, p0  }
0x20: {  	[sflag:s8] =	ssyncset.s32 @!p0 $0xFFFFF086;
	s6 =	sadd.s32 @!p0 s3, s7;
	s7 =	simm.s32 @!p0 $0x108  }
0x21: {  	s3 =	sadd.s32 s3, s9;
	s6 =	sadd.s32 @!p0 $0x88, s6;
	s7 =	simm.s32 @p2 $0x1082  }
0x22: {  	[simem:s7], [sflag:s8] =	dma.local @!p0 [hbm:s6], $0xF7A  }
0x23: {  	s9 =	sor.u32 $0xD0000000, s2;
	s6 =	simm.s32 $0x108;
	_ =	swait.ge @!p0 [sflag:s8], $0x0  }
0x24: {  	s3 =	sadd.s32 $0x88, s3;
	s6 =	simm.s32 @!p1 $0x1082;
	[sflag:s4] =	ssyncset.s32 $0xFFFFF086  }
0x25: {  	[simem:s6], [sflag:s4] =	dma.local [hbm:s3], $0xF7A  }
0x26: {  	[smem:$0x3F9D] =	sst s1;
	(tag) =	ssettag s2;
	_ =	strace s9  }
0x27: {  	s1 =	sld [smem:$0x3FAD]  }
0x28: {  	s2 =	sld [smem:$0x3FAE]  }
0x29: {  	s4 =	sld [smem:$0x3FB0]  }
0x2a: {  	p0 =	seq.s32 s5, $0x0;
	s5 =	sld [smem:$0x3FB1]  }
0x2b: {  	s6 =	sld [smem:$0x3FB2]  }
0x2c: {  	s7 =	sld [smem:$0x3FB3]  }
0x2d: {  	s3 =	simm.s32 $0x108;
	s8 =	sld [smem:$0x3FB4]  }
0x2e: {  	s3 =	simm.s32 @!p0 $0x1082;
	s9 =	sld [smem:$0x3FB5]  }
0x2f: {  	lr =	sadd.s32 s0, s3;
	s0 =	sld [smem:$0x3FAC]  }
0x30: {  	s3 =	sld [smem:$0x3FAF]  }
0x31: {  	[smem:$0x3FB8] =	sst s10  }
0x32: {  	s10 =	sld [smem:$0x3FB6];
	_ =	sdelay $0x3  }
0x33: {  	p0 =	seq.s32 s10, $0x1;
	s10 =	sld [smem:$0x3FB8];
	_ =	sdelay $0x3  }
0x34: {  	[smem:$0x3FB8] =	sst s10  }
0x35: {  	s10 =	sld [smem:$0x3FB7];
	_ =	sdelay $0x3  }
0x36: {  	p1 =	seq.s32 s10, $0x1;
	s10 =	sld [smem:$0x3FB8];
	_ =	sdelay $0x3  }
0x37: {  	[smem:$0x3FB8] =	sst s10  }
0x38: {  	s10 =	sld [smem:$0x3FB9]  }
0x39: {  	_ = 	snop;
	(pc) =	sbr.ind lr, $3  }
0x3a: {  	_ = 	snop  }
0x3b: {  	_ = 	snop  }
0x3c: {  	p2 =	seq.s32 s10, $0x1;
	s10 =	sld [smem:$0x3FB8]  }
0x3d: {  	_ =	shalt  }
0x3e: {  	_ =	shalt  }
0x3f: {  	_ =	shalt  }
0x40: {  	_ =	shalt  }
0x41: {  	_ =	shalt  }
0x42: {  	_ =	shalt  }
0x43: {  	_ =	shalt  }
0x44: {  	_ =	shalt  }
0x45: {  	_ =	shalt  }
0x46: {  	_ =	shalt  }
0x47: {  	_ =	shalt  }
0x48: {  	_ =	shalt  }
0x49: {  	_ =	shalt  }
0x4a: {  	_ =	shalt  }
0x4b: {  	_ =	shalt  }
0x4c: {  	_ =	shalt  }
0x4d: {  	_ =	shalt  }
0x4e: {  	_ =	shalt  }
0x4f: {  	_ =	shalt  }
0x50: {  	_ =	shalt  }
0x51: {  	_ =	shalt  }
0x52: {  	_ =	shalt  }
0x53: {  	_ =	shalt  }
0x54: {  	_ =	shalt  }
0x55: {  	_ =	shalt  }
0x56: {  	_ =	shalt  }
0x57: {  	_ =	shalt  }
0x58: {  	_ =	shalt  }
0x59: {  	_ =	shalt  }
0x5a: {  	_ =	shalt  }
0x5b: {  	_ =	shalt  }
0x5c: {  	_ =	shalt  }
0x5d: {  	_ =	shalt  }
0x5e: {  	_ =	shalt  }
0x5f: {  	_ =	shalt  }
0x60: {  	_ =	shalt  }
0x61: {  	_ =	shalt  }
0x62: {  	_ =	shalt  }
0x63: {  	_ =	shalt  }
0x64: {  	_ =	shalt  }
0x65: {  	_ =	shalt  }
0x66: {  	_ =	shalt  }
0x67: {  	_ =	shalt  }
0x68: {  	_ =	shalt  }
0x69: {  	_ =	shalt  }
0x6a: {  	_ =	shalt  }
0x6b: {  	_ =	shalt  }
0x6c: {  	_ =	shalt  }
0x6d: {  	_ =	shalt  }
0x6e: {  	_ =	shalt  }
0x6f: {  	_ =	shalt  }
0x70: {  	_ =	shalt  }
0x71: {  	_ =	shalt  }
0x72: {  	_ =	shalt  }
0x73: {  	_ =	shalt  }
0x74: {  	_ =	shalt  }
0x75: {  	_ =	shalt  }
0x76: {  	_ =	shalt  }
0x77: {  	_ =	shalt  }
0x78: {  	_ =	shalt  }
0x79: {  	_ =	shalt  }
0x7a: {  	_ =	shalt  }
0x7b: {  	_ =	shalt  }
0x7c: {  	_ =	shalt  }
0x7d: {  	_ =	shalt  }
0x7e: {  	_ =	shalt  }
0x7f: {  	_ =	shalt  }
0x80: {  	_ =	shalt  }
0x81: {  	_ =	shalt  }
0x82: {  	_ =	shalt  }
0x83: {  	_ =	shalt  }
0x84: {  	_ =	shalt  }
0x85: {  	_ =	shalt  }
0x86: {  	_ =	shalt  }
0x87: {  	_ =	shalt  }
.Lfunc_end0:
.L_simem_size_0:
called_computation_lowered:
.L_overlay_start_0:
0x88: {  	s2 =	sld [smem:$0x3FD9]  }
0x89: {  	s3 =	sld [smem:$0x3FFE];
	_ =	sdelay $0x1  }
0x8a: {  	s1 =	srdreg.scid  }
0x8b: {  	s0 =	sand.u32 $0x1, s1  }
0x8c: {  	s17 =	sshll.u32 s0, $0xA;
	s2 =	sadd.s32 s3, s2  }
0x8d: {  	s2 =	sadd.s32 s2, s17  }
0x8e: {  	[smem:$0x3FC4] =	sst s2  }
0x8f: {  	_ = 	snop  }
0x90: {  	s2 =	sld [smem:$0x3FC9]  }
0x91: {  	s18 =	sld [smem:$0x3FC7]  }
0x92: {  	s4 =	sld [smem:$0x3FD0];
	(tm) =	ssettm $0x1  }
0x93: {  	s5 =	sld [smem:$0x3FFB];
	_ =	sdelay $0x3  }
0x94: {  	_ =	strace s5  }
0x95: {  	s5 =	sld [smem:$0x3FFC];
	_ =	sdelay $0x3  }
0x96: {  	_ =	strace s5  }
0x97: {  	s5 =	sld [smem:$0x3FFD];
	_ =	sdelay $0x3  }
0x98: {  	_ =	strace s5  }
0x99: {  	_ =	strace $0x8FFFFFFF  }
0x9a: {  	s19 =	sld [smem:$0x3FDB];
	_ =	sdelay $0x1  }
0x9b: {  	s6 =	simm.s32 $_scs_section_size  }
0x9c: {  	s7 =	simm.s32 $_size__tile_overlayer_lowered;
	s8 =	simm.s32 $_tile_overlayer_lowered  }
0x9d: {  	s22 =	simm.s32 $0x1BFF;
	s21 =	sshll.u32 s8, $0x1;
	s5 =	sadd.s32 s6, s19  }
0x9e: {  	s9 =	simm.s32 $0x0;
	s20 =	sshll.u32 s7, $0x1;
	s7 =	sadd.s32 s21, s5  }
0x9f: {  	[timem:s9], [sflag:s22] =	dma.local [hbm:s7], s20  }
0xa0: {  	_ =	swait.ge [sflag:s22], s20  }
0xa1: {  	s6 =	ssub.s32 $0x0, s20;
	[sflag:s22] =	ssyncset.done $0x0  }
0xa2: {  	[sflag:s22] =	ssyncadd.s32 s6;
	_ =	sdelay $0x1  }
0xa3: {  	s23 =	simm.s32 $0x1B8B  }
0xa4: {  	_ =	swait.ge [sflag:s23], $0x1  }
0xa5: {  	[sflag:s23] =	ssyncset.done $0x0  }
0xa6: {  	s25 =	simm.s32 $0x1B8E;
	s24 =	sld [smem:$0x3FFE];
	[sflag:s23] =	ssyncadd.s32 $0xFFFFFFFF  }
0xa7: {  	s26 =	simm.s32 $execute0_lowered;
	[smem:$0x3FD2] =	sst s25  }
0xa8: {  	s7 =	sshll.u32 s26, $0x1;
	_ =	strace $0x80000046;
	[dreg:$0x1] =	wrdreg $0xFFFFFFFF  }
0xa9: {  	s28 =	simm.s32 $_size_execute0_lowered;
	s5 =	sadd.s32 s5, s7;
	[dreg:$0x0] =	wrdreg $0x0  }
0xaa: {  	s7 =	sshll.u32 s28, $0x1;
	[dreg:$0x2] =	wrdreg s5  }
0xab: {  	[dreg:$0x3] =	wrdreg s7  }
0xac: {  	[dreg:$0x4] =	wrdreg $0xC0  }
0xad: {  	_ =	task [dreg:s9], $0x5FFFF  }
0xae: {  	[dreg:$0x1] =	wrdreg $0xFFFFFFFF  }
0xaf: {  	[dreg:$0x0] =	wrdreg $0x60  }
0xb0: {  	[dreg:$0x2] =	wrdreg s18  }
0xb1: {  	[dreg:$0x3] =	wrdreg s2  }
0xb2: {  	[dreg:$0x4] =	wrdreg s24  }
0xb3: {  	[dreg:$0x5] =	wrdreg s4  }
0xb4: {  	[dreg:$0x6] =	wrdreg $0x51000  }
0xb5: {  	[dreg:$0x7] =	wrdreg $0x9  }
0xb6: {  	_ =	task.clear_ibuf [dreg:s9], $0x8FFFF;
	_ =	strace $0x90000046  }
0xb7: {  	s29 =	simm.s32 $0x9;
	_ =	strace $0x80000048  }
0xb8: {  	_ =	swait.ge [sflag:s29], $0x1  }
0xb9: {  	[sflag:s29] =	ssyncadd.s32 $0xFFFFFFFF  }
0xba: {  	_ =	strace $0x90000048  }
0xbb: {  	_ =	sfence  }
0xbc: {  	s30 =	sld [smem:$0x0];
	_ =	sdelay $0x2  }
0xbd: {  	s31 =	sshll.u32 s1, $0xD;
	s1 =	sshrl.u32 s1, $0x2  }
0xbe: {  	s3 =	sand.u32 $0x4000, s31;
	s1 =	sadd.s32 s1, s30  }
0xbf: {  	s0 =	sor.u32 s3, s0;
	s1 =	sshll.u32 s1, $0x11  }
0xc0: {  	s0 =	sor.u32 s1, s0  }
0xc1: {  	s0 =	sadd.s32 $0x8F2B, s0  }
0xc2: {  	[sflag:s0] =	ssyncadd.remote.s32 $0x1  }
0xc3: {  	_ =	sfence.sel $0xFFFF  }
0xc4: {  	[dreg:$0x0] =	wrdreg $0xFFFFFFFF;
	(pc) =	sbr.abs _section_cstart, $3  }
0xc5: {  	[dreg:$0x1] =	wrdreg $0xFFFFFFFF  }
0xc6: {  	_ =	task.clear_ibuf [dreg:s9], $0x2FFFF;
	_ =	strace $0x9FFFFFFF  }
0xc7: {  	(tm) =	ssettm $0x7FFFFFFF  }
tec
execute0_lowered:
.L_overlay_start_1:
0x0: {  	(tag) =	ssettag $0x1  }
0x1: {  	s1 =	rddreg [dreg:$0x0]  }
0x2: {  	s0 =	rddreg [dreg:$0x1]  }
0x3: {  	s3 =	rddreg [dreg:$0x2]  }
0x4: {  	s8 =	rddreg [dreg:$0x3]  }
0x5: {  	s2 =	rddreg [dreg:$0x4];
	s4 =	srdreg.scid  }
0x6: {  	s13 =	stileid.u32;
	s14 =	simm.s32 $0x80;
	s15 =	simm.s32 $0x1100  }
0x7: {  	s16 =	simm.s32 $0x9100;
	s17 =	simm.s32 $0xD100;
	s19 =	simm.s32 $0x11100  }
0x8: {  	s21 =	simm.s32 $0x15100;
	s22 =	simm.s32 $0x1;
	s24 =	simm.s32 $0x2  }
0x9: {  	s29 =	simm.s32 $0x3;
	s30 =	simm.s32 $0x7;
	s20 =	simm.s32 $0x5  }
0xa: {  	s23 =	simm.s32 $0x9;
	s28 =	simm.s32 $0x0;
	s5 =	sand.u32 $0x1, s4  }
0xb: {  	s4 =	simm.s32 $0x0;
	s31 =	sshll.u32 s13, $0xE;
	s6 =	sshll.u32 s5, $0x4  }
0xc: {  	[smem:$0x7FF] =	sst s4;
	s5 =	ssub.s32 $0x2, s5;
	s6 =	sor.u32 s13, s6  }
0xd: {  	_ =	strace $0x80000047;
	s25 =	sshrl.u32 s5, $0x1;
	s13 =	simm.s32 $0x1000  }
0xe: {  	s7 =	sshll.u32 s6, $0x9;
	s9 =	sshll.u32 s6, $0x4;
	s11 =	sshll.u32 s6, $0xB  }
0xf: {  	s12 =	ssub.s32 s5, s25;
	s7 =	sadd.s32 s7, s3;
	s10 =	sadd.s32 s9, s3  }
0x10: {  	s3 =	sadd.s32 s11, s3;
	s8 =	sadd.s32 s8, s11;
	s11 =	simm.s32 $0xA  }
0x11: {  	s26 =	sadd.s32 $0x1200, s7;
	s6 =	sadd.s32 $0x1000, s10;
	s7 =	sadd.s32 s0, s9  }
0x12: {  	s0 =	sadd.s32 s31, s2;
	s9 =	sadd.s32 $0x5200, s3;
	s10 =	smax.u32 s12, $0x1  }
0x13: {  	s12 =	simm.s32 $0x1080;
	s3 =	simm.s32 $0x8;
	[dreg:$0x6] =	wrdreg s26  }
0x14: {  	s25 =	sshrl.u32 s0, $0x3;
	s26 =	simm.s32 $0x6;
	s0 =	simm.s32 $0x4  }
.LBB2_1:
0x15: {  	s5 =	rddreg [dreg:$0x6]  }
0x16: {  	[tilespmem:s4], [sflag:$0xA] =	stream.linear.gather [hbm4b:s5+s4], $0x1000, $0x38;
	[tilespmem:$0x19100] =	vst v63  }
0x17: {  	_ =	swait.ge [sflag:s11], $0x1000  }
0x18: {  	[sflag:s11] =	ssyncset.done $0x0  }
0x19: {  	[sflag:s11] =	ssyncadd.s32 $0xFFFFF000  }
0x1a: {  	[tilespmem:s12], [sflag:$0xA] =	stream.linear.gather [hbm4b:s6+s4], $0x80, $0x38;
	[tilespmem:$0x19100] =	vst v63  }
0x1b: {  	_ =	swait.ge [sflag:s11], $0x80  }
0x1c: {  	[sflag:s11] =	ssyncset.done $0x0  }
0x1d: {  	[sflag:s11] =	ssyncadd.s32 $0xFFFFFF80  }
0x1e: {  	[tilespmem:s13], [sflag:$0xA] =	stream.linear.gather [hbm4b:s7+s4], $0x80, $0x38;
	[tilespmem:$0x19100] =	vst v63  }
0x1f: {  	_ =	swait.ge [sflag:s11], $0x80  }
0x20: {  	[sflag:s11] =	ssyncset.done $0x0  }
0x21: {  	[sflag:s11] =	ssyncadd.s32 $0xFFFFFF80  }
0x22: {  	[tilespmem:s15], [sflag:$0x9] =	stream.indirect.gather [hbm4b:s1+s14], $0x80, s13, s14, $0xb8;
	[tilespmem:$0x19100] =	vst v63  }
0x23: {  	_ = 	snop  }
0x24: {  	[tilespmem:s16], [sflag:$0x1] =	stream.indirect.gather [hbm4b:s1+s14], $0x80, s4, s14, $0xb8;
	[tilespmem:$0x19100] =	vst v63  }
0x25: {  	_ = 	snop  }
0x26: {  	[tilespmem:s17], [sflag:$0x2] =	stream.indirect.gather [hbm4b:s1+s14], $0x80, s14, s14, $0xb8;
	[tilespmem:$0x19100] =	vst v63  }
0x27: {  	s18 =	simm.s32 $0x100  }
0x28: {  	[tilespmem:s19], [sflag:$0x3] =	stream.indirect.gather [hbm4b:s1+s14], $0x80, s18, s14, $0xb8;
	[tilespmem:$0x19100] =	vst v63  }
0x29: {  	s18 =	simm.s32 $0x180  }
0x2a: {  	[tilespmem:s21], [sflag:$0x4] =	stream.indirect.gather [hbm4b:s1+s14], $0x80, s18, s14, $0xb8;
	[tilespmem:$0x19100] =	vst v63  }
0x2b: {  	_ =	swait.ge [sflag:s22], $0x4000  }
0x2c: {  	[sflag:s22] =	ssyncset.done $0x0  }
0x2d: {  	[sflag:s22] =	ssyncadd.s32 $0xFFFFC000  }
0x2e: {  	[spmem:s2] =	stream.indirect.scatter [tilespmem:s16], [sflag:$0xA], $0x80, s12, s14, $0xb8;
	[tilespmem:$0x19100] =	vst v63  }
0x2f: {  	_ =	swait.ge [sflag:s11], $0x4000  }
0x30: {  	[sflag:s11] =	ssyncset.done $0x0  }
0x31: {  	s18 =	simm.s32 $0x200;
	[sflag:s11] =	ssyncadd.s32 $0xFFFFC000  }
0x32: {  	[tilespmem:s16], [sflag:$0x1] =	stream.indirect.gather [hbm4b:s1+s14], $0x80, s18, s14, $0xb8;
	[tilespmem:$0x19100] =	vst v63  }
0x33: {  	_ =	swait.ge [sflag:s24], $0x4000  }
0x34: {  	[sflag:s24] =	ssyncset.done $0x0  }
0x35: {  	[sflag:s24] =	ssyncadd.s32 $0xFFFFC000  }
0x36: {  	[spmem:s2] =	stream.indirect.scatter.add.f32 [tilespmem:s17], [sflag:$0x6], $0x80, s12, s14, $0xb8;
	[tilespmem:$0x19100] =	vst v63  }
0x37: {  	_ =	swait.ge [sflag:s26], $0x4000  }
0x38: {  	[sflag:s26] =	ssyncset.done $0x0  }
0x39: {  	s18 =	simm.s32 $0x280;
	[sflag:s26] =	ssyncadd.s32 $0xFFFFC000  }
0x3a: {  	[tilespmem:s17], [sflag:$0x2] =	stream.indirect.gather [hbm4b:s1+s14], $0x80, s18, s14, $0xb8;
	[tilespmem:$0x19100] =	vst v63  }
0x3b: {  	_ =	swait.ge [sflag:s29], $0x4000  }
0x3c: {  	[sflag:s29] =	ssyncset.done $0x0  }
0x3d: {  	[sflag:s29] =	ssyncadd.s32 $0xFFFFC000  }
0x3e: {  	[spmem:s2] =	stream.indirect.scatter.add.f32 [tilespmem:s19], [sflag:$0x7], $0x80, s12, s14, $0xb8;
	[tilespmem:$0x19100] =	vst v63  }
0x3f: {  	_ =	swait.ge [sflag:s30], $0x4000  }
0x40: {  	[sflag:s30] =	ssyncset.done $0x0  }
0x41: {  	s18 =	simm.s32 $0x300;
	[sflag:s30] =	ssyncadd.s32 $0xFFFFC000  }
0x42: {  	[tilespmem:s19], [sflag:$0x3] =	stream.indirect.gather [hbm4b:s1+s14], $0x80, s18, s14, $0xb8;
	[tilespmem:$0x19100] =	vst v63  }
0x43: {  	_ =	swait.ge [sflag:s0], $0x4000  }
0x44: {  	[sflag:s0] =	ssyncset.done $0x0  }
0x45: {  	[sflag:s0] =	ssyncadd.s32 $0xFFFFC000  }
0x46: {  	[spmem:s2] =	stream.indirect.scatter.add.f32 [tilespmem:s21], [sflag:$0x8], $0x80, s12, s14, $0xb8;
	[tilespmem:$0x19100] =	vst v63  }
0x47: {  	_ =	swait.ge [sflag:s3], $0x4000  }
0x48: {  	[sflag:s3] =	ssyncset.done $0x0  }
0x49: {  	s18 =	simm.s32 $0x380;
	[sflag:s3] =	ssyncadd.s32 $0xFFFFC000  }
0x4a: {  	[tilespmem:s21], [sflag:$0x4] =	stream.indirect.gather [hbm4b:s1+s14], $0x80, s18, s14, $0xb8;
	[tilespmem:$0x19100] =	vst v63  }
0x4b: {  	_ =	swait.ge [sflag:s22], $0x4000  }
0x4c: {  	[sflag:s22] =	ssyncset.done $0x0  }
0x4d: {  	[sflag:s22] =	ssyncadd.s32 $0xFFFFC000  }
0x4e: {  	[spmem:s2] =	stream.indirect.scatter.add.f32 [tilespmem:s16], [sflag:$0x5], $0x80, s12, s14, $0xb8;
	[tilespmem:$0x19100] =	vst v63  }
0x4f: {  	_ =	swait.ge [sflag:s20], $0x4000  }
0x50: {  	[sflag:s20] =	ssyncset.done $0x0  }
0x51: {  	s18 =	simm.s32 $0x400;
	[sflag:s20] =	ssyncadd.s32 $0xFFFFC000  }
0x52: {  	[tilespmem:s16], [sflag:$0x1] =	stream.indirect.gather [hbm4b:s1+s14], $0x80, s18, s14, $0xb8;
	[tilespmem:$0x19100] =	vst v63  }
0x53: {  	_ =	swait.ge [sflag:s24], $0x4000  }
0x54: {  	[sflag:s24] =	ssyncset.done $0x0  }
0x55: {  	[sflag:s24] =	ssyncadd.s32 $0xFFFFC000  }
0x56: {  	[spmem:s2] =	stream.indirect.scatter.add.f32 [tilespmem:s17], [sflag:$0x6], $0x80, s12, s14, $0xb8;
	[tilespmem:$0x19100] =	vst v63  }
0x57: {  	_ =	swait.ge [sflag:s26], $0x4000  }
0x58: {  	[sflag:s26] =	ssyncset.done $0x0  }
0x59: {  	s5 =	simm.s32 $0x480;
	[sflag:s26] =	ssyncadd.s32 $0xFFFFC000  }
0x5a: {  	[tilespmem:s17], [sflag:$0x2] =	stream.indirect.gather [hbm4b:s1+s14], $0x80, s5, s14, $0xb8;
	[tilespmem:$0x19100] =	vst v63  }
0x5b: {  	_ =	swait.ge [sflag:s29], $0x4000  }
0x5c: {  	[sflag:s29] =	ssyncset.done $0x0  }
0x5d: {  	[sflag:s29] =	ssyncadd.s32 $0xFFFFC000  }
0x5e: {  	[spmem:s2] =	stream.indirect.scatter.add.f32 [tilespmem:s19], [sflag:$0x7], $0x80, s12, s14, $0xb8;
	[tilespmem:$0x19100] =	vst v63  }
0x5f: {  	_ =	swait.ge [sflag:s30], $0x4000  }
0x60: {  	[sflag:s30] =	ssyncset.done $0x0  }
0x61: {  	s5 =	simm.s32 $0x500;
	[sflag:s30] =	ssyncadd.s32 $0xFFFFC000  }
0x62: {  	[tilespmem:s19], [sflag:$0x3] =	stream.indirect.gather [hbm4b:s1+s14], $0x80, s5, s14, $0xb8;
	[tilespmem:$0x19100] =	vst v63  }
0x63: {  	_ =	swait.ge [sflag:s0], $0x4000  }
0x64: {  	[sflag:s0] =	ssyncset.done $0x0  }
0x65: {  	[sflag:s0] =	ssyncadd.s32 $0xFFFFC000  }
0x66: {  	[spmem:s2] =	stream.indirect.scatter.add.f32 [tilespmem:s21], [sflag:$0x8], $0x80, s12, s14, $0xb8;
	[tilespmem:$0x19100] =	vst v63  }
0x67: {  	_ =	swait.ge [sflag:s3], $0x4000  }
0x68: {  	[sflag:s3] =	ssyncset.done $0x0  }
0x69: {  	s31 =	simm.s32 $0xFFFFD800;
	s18 =	simm.s32 $0x580;
	[sflag:s3] =	ssyncadd.s32 $0xFFFFC000  }
.LBB2_2:
0x6a: {  	[tilespmem:s21], [sflag:$0x4] =	stream.indirect.gather [hbm4b:s1+s14], $0x80, s18, s14, $0xb8;
	[tilespmem:$0x19100] =	vst v63  }
0x6b: {  	s18 =	smov.u32 s31  }
0x6c: {  	p0 =	sne.s32 s31, $0xFFFFF800;
	s31 =	sadd.s32 $0x800, s31;
	_ =	swait.ge [sflag:s22], $0x4000  }
0x6d: {  	[sflag:s22] =	ssyncset.done $0x0  }
0x6e: {  	[sflag:s22] =	ssyncadd.s32 $0xFFFFC000  }
0x6f: {  	[spmem:s2] =	stream.indirect.scatter.add.f32 [tilespmem:s16], [sflag:$0x5], $0x80, s12, s14, $0xb8;
	[tilespmem:$0x19100] =	vst v63  }
0x70: {  	_ =	swait.ge [sflag:s20], $0x4000  }
0x71: {  	s18 =	sshra.s32 s18, $0x2;
	[sflag:s20] =	ssyncset.done $0x0  }
0x72: {  	s5 =	sadd.s32 $0x1000, s18;
	[sflag:s20] =	ssyncadd.s32 $0xFFFFC000  }
0x73: {  	[tilespmem:s16], [sflag:$0x1] =	stream.indirect.gather [hbm4b:s1+s14], $0x80, s5, s14, $0xb8;
	[tilespmem:$0x19100] =	vst v63  }
0x74: {  	_ =	swait.ge [sflag:s24], $0x4000  }
0x75: {  	[sflag:s24] =	ssyncset.done $0x0  }
0x76: {  	[sflag:s24] =	ssyncadd.s32 $0xFFFFC000  }
0x77: {  	[spmem:s2] =	stream.indirect.scatter.add.f32 [tilespmem:s17], [sflag:$0x6], $0x80, s12, s14, $0xb8;
	[tilespmem:$0x19100] =	vst v63  }
0x78: {  	_ =	swait.ge [sflag:s26], $0x4000  }
0x79: {  	[sflag:s26] =	ssyncset.done $0x0  }
0x7a: {  	s5 =	sadd.s32 $0x1080, s18;
	[sflag:s26] =	ssyncadd.s32 $0xFFFFC000  }
0x7b: {  	[tilespmem:s17], [sflag:$0x2] =	stream.indirect.gather [hbm4b:s1+s14], $0x80, s5, s14, $0xb8;
	[tilespmem:$0x19100] =	vst v63  }
0x7c: {  	_ =	swait.ge [sflag:s29], $0x4000  }
0x7d: {  	[sflag:s29] =	ssyncset.done $0x0  }
0x7e: {  	[sflag:s29] =	ssyncadd.s32 $0xFFFFC000  }
0x7f: {  	[spmem:s2] =	stream.indirect.scatter.add.f32 [tilespmem:s19], [sflag:$0x7], $0x80, s12, s14, $0xb8;
	[tilespmem:$0x19100] =	vst v63  }
0x80: {  	_ =	swait.ge [sflag:s30], $0x4000  }
0x81: {  	[sflag:s30] =	ssyncset.done $0x0  }
0x82: {  	s5 =	sadd.s32 $0x1100, s18;
	[sflag:s30] =	ssyncadd.s32 $0xFFFFC000  }
0x83: {  	[tilespmem:s19], [sflag:$0x3] =	stream.indirect.gather [hbm4b:s1+s14], $0x80, s5, s14, $0xb8;
	[tilespmem:$0x19100] =	vst v63  }
0x84: {  	_ =	swait.ge [sflag:s0], $0x4000  }
0x85: {  	[sflag:s0] =	ssyncset.done $0x0  }
.Ltmp0:
0x86: {  	[sflag:s0] =	ssyncadd.s32 $0xFFFFC000;
	(pc) =	sbr.rel @p0 .LBB2_2-.Ltmp0, $4  }
0x87: {  	[spmem:s2] =	stream.indirect.scatter.add.f32 [tilespmem:s21], [sflag:$0x8], $0x80, s12, s14, $0xb8;
	[tilespmem:$0x19100] =	vst v63  }
0x88: {  	_ =	swait.ge [sflag:s3], $0x4000  }
0x89: {  	[sflag:s3] =	ssyncset.done $0x0  }
0x8a: {  	s18 =	sadd.s32 $0x1180, s18;
	[sflag:s3] =	ssyncadd.s32 $0xFFFFC000  }
0x8b: {  	[tilespmem:s21], [sflag:$0x4] =	stream.indirect.gather [hbm4b:s1+s14], $0x80, s18, s14, $0xb8;
	[tilespmem:$0x19100] =	vst v63  }
0x8c: {  	_ =	swait.ge [sflag:s22], $0x4000  }
0x8d: {  	[sflag:s22] =	ssyncset.done $0x0  }
0x8e: {  	[sflag:s22] =	ssyncadd.s32 $0xFFFFC000  }
0x8f: {  	[spmem:s2] =	stream.indirect.scatter.add.f32 [tilespmem:s16], [sflag:$0x5], $0x80, s12, s14, $0xb8;
	[tilespmem:$0x19100] =	vst v63  }
0x90: {  	_ =	swait.ge [sflag:s24], $0x4000  }
0x91: {  	[sflag:s24] =	ssyncset.done $0x0  }
0x92: {  	[sflag:s24] =	ssyncadd.s32 $0xFFFFC000  }
0x93: {  	[spmem:s2] =	stream.indirect.scatter.add.f32 [tilespmem:s17], [sflag:$0x6], $0x80, s12, s14, $0xb8;
	[tilespmem:$0x19100] =	vst v63  }
0x94: {  	_ =	swait.ge [sflag:s29], $0x4000  }
0x95: {  	[sflag:s29] =	ssyncset.done $0x0  }
0x96: {  	[sflag:s29] =	ssyncadd.s32 $0xFFFFC000  }
0x97: {  	[spmem:s2] =	stream.indirect.scatter.add.f32 [tilespmem:s19], [sflag:$0x7], $0x80, s12, s14, $0xb8;
	[tilespmem:$0x19100] =	vst v63  }
0x98: {  	_ =	swait.ge [sflag:s0], $0x4000  }
0x99: {  	[sflag:s0] =	ssyncset.done $0x0  }
0x9a: {  	[sflag:s0] =	ssyncadd.s32 $0xFFFFC000  }
0x9b: {  	[spmem:s2] =	stream.indirect.scatter.add.f32 [tilespmem:s21], [sflag:$0x8], $0x80, s12, s14, $0xb8;
	[tilespmem:$0x19100] =	vst v63  }
0x9c: {  	_ =	swait.ge [sflag:s20], $0x4000  }
0x9d: {  	[sflag:s20] =	ssyncset.done $0x0  }
0x9e: {  	[sflag:s20] =	ssyncadd.s32 $0xFFFFC000  }
0x9f: {  	_ =	swait.ge [sflag:s26], $0x4000  }
0xa0: {  	[sflag:s26] =	ssyncset.done $0x0  }
0xa1: {  	[sflag:s26] =	ssyncadd.s32 $0xFFFFC000  }
0xa2: {  	_ =	swait.ge [sflag:s30], $0x4000  }
0xa3: {  	[sflag:s30] =	ssyncset.done $0x0  }
0xa4: {  	[sflag:s30] =	ssyncadd.s32 $0xFFFFC000  }
0xa5: {  	_ =	swait.ge [sflag:s3], $0x4000  }
0xa6: {  	[sflag:s3] =	ssyncset.done $0x0  }
0xa7: {  	[sflag:s3] =	ssyncadd.s32 $0xFFFFC000  }
0xa8: {  	_ =	swait.ge [sflag:s23], $0x4000  }
0xa9: {  	[sflag:s23] =	ssyncset.done $0x0  }
0xaa: {  	[sflag:s23] =	ssyncadd.s32 $0xFFFFC000  }
0xab: {  	[hbm4b:s8+s4] =	stream.linear.scatter [tilespmem:s15], [sflag:$0xA], $0x4000, $0x38;
	[tilespmem:$0x19100] =	vst v63  }
0xac: {  	s5 =	stileid.u32;
	s28 =	sadd.s32 $0x1, s28;
	_ =	swait.ge [sflag:s11], $0x4000  }
0xad: {  	s5 =	sshll.u32 s5, $0x6;
	p0 =	sne.s32 s28, s10;
	[sflag:s11] =	ssyncset.done $0x0  }
.Ltmp1:
0xae: {  	s5 =	sor.u32 $0x1C0A, s5;
	[sflag:s11] =	ssyncadd.s32 $0xFFFFC000;
	(pc) =	sbr.rel @p0 .LBB2_1-.Ltmp1, $4  }
0xaf: {  	[hbm:s9], [sflag:s5] =	dma.local [spmem:s25], $0x800  }
0xb0: {  	_ =	swait.ge [sflag:s11], $0x800  }
0xb1: {  	[sflag:s11] =	ssyncset.done $0x0  }
0xb2: {  	[sflag:s11] =	ssyncadd.s32 $0xFFFFF800  }
0xb3: {  	_ =	sfence.sel $0x180000  }
0xb4: {  	[bflag:$0x0] =	sbarrier.arrive $0xFFFF  }
0xb5: {  	_ =	strace $0x90000047  }
0xb6: {  	s0 =	stileid.u32;
	[bflag:$0x2] =	sbarrier.arrive $0xFFFF  }
0xb7: {  	p0 =	sne.s32 s0, $0x0;
	s0 =	rddreg [dreg:$0x5]  }
0xb8: {  	s0 =	sadd.s32 @!p0 $0x100000, s0  }
0xb9: {  	[sflag:s0] =	ssyncadd.tile.s32 @!p0 $0x1;
	_ =	shalt  }
.Lfunc_end2:
_tile_overlayer_lowered:
.L_overlay_start_2:
0xba: {  	(tag) =	ssettag $0x2  }
0xbb: {  	s0 =	rddreg [dreg:$0x0];
	s2 =	stileid.u32  }
0xbc: {  	s1 =	rddreg [dreg:$0x1];
	p0 =	sne.s32 s2, $0x0  }
0xbd: {  	s3 =	rddreg [dreg:$0x2];
	[bflag:$0x3] =	sbarrier.arrive $0xFFFF;
	s2 =	simm.s32 @!p0 $0x1C0A  }
0xbe: {  	[timem:s3], [sflag:s2] =	dma.local @!p0 [hbm:s0], s1  }
0xbf: {  	s0 =	simm.s32 @!p0 $0xA  }
0xc0: {  	_ =	swait.ge @!p0 [sflag:s0], s1  }
0xc1: {  	s1 =	ssub.s32 @!p0 $0x0, s1;
	[sflag:s0] =	ssyncset.done @!p0 $0x0  }
0xc2: {  	[sflag:s0] =	ssyncadd.s32 @!p0 s1  }
0xc3: {  	[bflag:$0x3] =	sbarrier.arrive $0xFFFF  }
0xc4: {  	_ =	shalt  }

</sc_bundles>
